<compile_context>
chip_gen: v7x
topology: tpu7x:2x2x1
jax: 0.10.2.dev20260603
libtpu: 0.0.44.dev20260713+nightly
codegen_flags: <defaults>
</compile_context>

<pallas_src>
import functools

import jax
import jax.numpy as jnp
from jax import lax
from jax.experimental import pallas as pl
from jax.experimental.pallas import tpu as pltpu
from jax.experimental.pallas import tpu_sc as plsc

VOCAB = 100000
EMBED_DIM = 128
OUT_DIM = 2
BATCH = 4096
SEQ = 200

NC, NS, L = 2, 16, 16
VB = 20480
VPAD = ((VOCAB + VB - 1) // VB) * VB
ROWS_PER_G = BATCH // NS
NJ = ROWS_PER_G // L
ST = SEQ // 8
RT = BATCH // 128


def _proj_body(w_ref, b_ref, emb_ref, out0_ref, out1_ref):
    res = lax.dot_general(
        w_ref[...], emb_ref[...],
        (((1,), (1,)), ((), ())),
        preferred_element_type=jnp.float32,
    ) * (1.0 / SEQ)
    out0_ref[...] = res[0] + b_ref[0] * (1.0 / SEQ)
    out1_ref[...] = res[1] + b_ref[1] * (1.0 / SEQ)


def _project_table(W, b, emb_table):
    return pl.pallas_call(
        _proj_body,
        grid=(VPAD // VB,),
        in_specs=[
            pl.BlockSpec((OUT_DIM, EMBED_DIM), lambda i: (0, 0)),
            pl.BlockSpec(memory_space=pltpu.SMEM),
            pl.BlockSpec((VB, EMBED_DIM), lambda i: (i, 0)),
        ],
        out_specs=[
            pl.BlockSpec((VB,), lambda i: (i,)),
            pl.BlockSpec((VB,), lambda i: (i,)),
        ],
        out_shape=[
            jax.ShapeDtypeStruct((VPAD,), jnp.float32),
            jax.ShapeDtypeStruct((VPAD,), jnp.float32),
        ],
    )(W, b, emb_table)


def _sc_pool_body(proj0_hbm, proj1_hbm, tok_hbm, out_hbm,
                  table_v, tokbuf_v, out_v, sem_t, sem_c):
    comp = lax.axis_index("c")
    g = lax.axis_index("s")

    cp_tok = pltpu.async_copy(tok_hbm.at[:, pl.ds(2 * g, 1)], tokbuf_v, sem_c)

    @pl.when(comp == 0)
    def _():
        pltpu.async_copy(proj0_hbm, table_v, sem_t)

    @pl.when(comp == 1)
    def _():
        pltpu.async_copy(proj1_hbm, table_v, sem_t)

    pltpu.make_async_copy(proj0_hbm, table_v, sem_t).wait()
    cp_tok.wait()

    for k in range(2):
        def body(st, accs):
            new = list(accs)
            for si in range(8):
                for jj in range(8):
                    idx = tokbuf_v[st, 0, si, pl.ds(jj * L, L)]
                    new[jj] = new[jj] + plsc.load_gather(table_v, [idx])
            return tuple(new)

        accs = lax.fori_loop(
            0, ST, body, tuple(jnp.zeros((L,), jnp.float32) for _ in range(8))
        )
        for jj in range(8):
            out_v[pl.ds((k * 8 + jj) * L, L)] = accs[jj]
        if k == 0:
            pltpu.sync_copy(tok_hbm.at[:, pl.ds(2 * g + 1, 1)], tokbuf_v)

    pltpu.sync_copy(out_v, out_hbm.at[comp, pl.ds(g * ROWS_PER_G, ROWS_PER_G)])


_sc_pool = functools.partial(
    pl.kernel,
    out_type=jax.ShapeDtypeStruct((OUT_DIM, BATCH), jnp.float32),
    mesh=plsc.VectorSubcoreMesh(core_axis_name="c", subcore_axis_name="s"),
    compiler_params=pltpu.CompilerParams(needs_layout_passes=False),
    scratch_types=[
        pltpu.VMEM((VPAD,), jnp.float32),
        pltpu.VMEM((ST, 1, 8, 128), jnp.int32),
        pltpu.VMEM((ROWS_PER_G,), jnp.float32),
        pltpu.SemaphoreType.DMA,
        pltpu.SemaphoreType.DMA,
    ],
)(_sc_pool_body)


def kernel(text_token, emb_table, W, b):
    tok = text_token.astype(jnp.int32)
    proj0, proj1 = _project_table(W, b, emb_table)
    tok4 = tok.T.reshape(ST, 8, RT, 128).transpose(0, 2, 1, 3)
    return _sc_pool(proj0, proj1, tok4).T

# --- scband reference (transcript-rebuilt; emitter-appended) ---
"""Pipeline reference for scband-fast-text-19731079758431 (READ-ONLY COPY).

The authoritative reference and input builder live on the scoring server;
editing this copy changes nothing except your own understanding.
"""

import jax, jax.numpy as jnp
import numpy as np

VOCAB = 100000
EMBED_DIM = 128
OUTPUT_DIM = 2
BATCH = 4096
SEQ = 200


def setup_inputs(seed: int = 0) -> dict:
    key = jax.random.key(seed)
    k1, k2, k3, k4 = jax.random.split(key, 4)
    text_token = jax.random.randint(k1, (BATCH, SEQ), 0, VOCAB, dtype=jnp.int64)
    emb_table = jax.random.normal(k2, (VOCAB, EMBED_DIM), dtype=jnp.float32)
    W = jax.random.normal(k3, (OUTPUT_DIM, EMBED_DIM), dtype=jnp.float32) * (1.0 / np.sqrt(EMBED_DIM))
    b = jax.random.normal(k4, (OUTPUT_DIM,), dtype=jnp.float32) * 0.01
    return {"text_token": text_token, "emb_table": emb_table, "W": W, "b": b}


def reference(text_token, emb_table, W, b):
    # embedding gather: [B, S, D]
    embedded = jnp.take(emb_table, text_token, axis=0)
    # avg_pool2d over (S, 1) then squeeze(1) == mean over sequence axis
    pooled = jnp.mean(embedded, axis=1)
    # linear
    out = pooled @ W.T + b
    return out

if __name__ == "__main__":
    import jax
    _d = setup_inputs()
    print(jax.jit(kernel)(*tuple(_d.values())))

</pallas_src>

<mosaic_0001>
#map = affine_map<(d0, d1) -> (0)>
#map1 = affine_map<(d0, d1) -> (0, 0, 0, 0)>
#map2 = affine_map<(d0, d1) -> (0, 0)>
module attributes {stable_mosaic.version = 14 : i64} {
  func.func @_sc_pool_body(%arg0: i32, %arg1: i32, %arg2: memref<102400xf32, #tpu.memory_space<hbm>>, %arg3: memref<102400xf32, #tpu.memory_space<hbm>>, %arg4: memref<25x32x8x128xi32, #tpu.memory_space<hbm>>, %arg5: memref<2x4096xf32, #tpu.memory_space<hbm>>, %arg6: memref<102400xf32, #tpu.memory_space<vmem>>, %arg7: memref<25x1x8x128xi32, #tpu.memory_space<vmem>>, %arg8: memref<256xf32, #tpu.memory_space<vmem>>, %arg9: memref<!tpu.dma_semaphore, #tpu.memory_space<semaphore_mem>>, %arg10: memref<!tpu.dma_semaphore, #tpu.memory_space<semaphore_mem>>) attributes {dimension_semantics = [#tpu.dimension_semantics<core_parallel>, #tpu.dimension_semantics<subcore_parallel>], iteration_bounds = array<i64: 2, 16>, scalar_prefetch = 0 : i64, scratch_operands = 5 : i64, tpu.core_type = #tpu.core_type<sc_vector_subcore>, window_params = [{transform_indices = #map}, {transform_indices = #map}, {transform_indices = #map1}, {transform_indices = #map2}]} {
    %mul3A = arith.constant 2 : i32
    %mul3A_0 = arith.muli %mul3A, %arg1 : i32
    %dma_start3A = arith.constant 0 : i32
    %dma_start3A_1 = arith.constant 0 : i32
    %dma_start3A_2 = arith.constant 0 : i32
    %dma_start3A_3 = tpu.memref_slice %arg4[%dma_start3A, %mul3A_0, %dma_start3A_1, %dma_start3A_2] : memref<25x32x8x128xi32, #tpu.memory_space<hbm>> -> memref<25x1x8x128xi32, #tpu.memory_space<hbm>>
    %dma_start3A_4 = arith.constant 0 : i32
    %dma_start3A_5 = arith.constant 0 : i32
    %dma_start3A_6 = arith.constant 0 : i32
    %dma_start3A_7 = tpu.memref_slice %arg4[%dma_start3A_4, %mul3A_0, %dma_start3A_5, %dma_start3A_6] : memref<25x32x8x128xi32, #tpu.memory_space<hbm>> -> memref<25x1x8x128xi32, #tpu.memory_space<hbm>>
    tpu.enqueue_dma source(%dma_start3A_7 : memref<25x1x8x128xi32, #tpu.memory_space<hbm>>) target(%arg7 : memref<25x1x8x128xi32, #tpu.memory_space<vmem>>) target_semaphore(%arg10 : memref<!tpu.dma_semaphore, #tpu.memory_space<semaphore_mem>>)
    %eq3A = arith.constant 0 : i32
    %eq3A_8 = arith.cmpi eq, %arg0, %eq3A : i32
    %convert_element_type3A = arith.extui %eq3A_8 : i1 to i32
    %cond3A = arith.constant 0 : i32
    %cond3A_9 = arith.cmpi ne, %convert_element_type3A, %cond3A : i32
    scf.if %cond3A_9 {
      tpu.enqueue_dma source(%arg2 : memref<102400xf32, #tpu.memory_space<hbm>>) target(%arg6 : memref<102400xf32, #tpu.memory_space<vmem>>) target_semaphore(%arg9 : memref<!tpu.dma_semaphore, #tpu.memory_space<semaphore_mem>>)
    } else {
    }
    %eq3A_10 = arith.constant 1 : i32
    %eq3A_11 = arith.cmpi eq, %arg0, %eq3A_10 : i32
    %convert_element_type3A_12 = arith.extui %eq3A_11 : i1 to i32
    %cond3A_13 = arith.constant 0 : i32
    %cond3A_14 = arith.cmpi ne, %convert_element_type3A_12, %cond3A_13 : i32
    scf.if %cond3A_14 {
      tpu.enqueue_dma source(%arg3 : memref<102400xf32, #tpu.memory_space<hbm>>) target(%arg6 : memref<102400xf32, #tpu.memory_space<vmem>>) target_semaphore(%arg9 : memref<!tpu.dma_semaphore, #tpu.memory_space<semaphore_mem>>)
    } else {
    }
    tpu.wait_dma2 semaphore(%arg9 : memref<!tpu.dma_semaphore, #tpu.memory_space<semaphore_mem>>) src(%arg2 : memref<102400xf32, #tpu.memory_space<hbm>>) dst(%arg6 : memref<102400xf32, #tpu.memory_space<vmem>>)
    %dma_wait3A = arith.constant 0 : i32
    %dma_wait3A_15 = arith.constant 0 : i32
    %dma_wait3A_16 = arith.constant 0 : i32
    %dma_wait3A_17 = tpu.memref_slice %arg4[%dma_wait3A, %mul3A_0, %dma_wait3A_15, %dma_wait3A_16] : memref<25x32x8x128xi32, #tpu.memory_space<hbm>> -> memref<25x1x8x128xi32, #tpu.memory_space<hbm>>
    %dma_wait3A_18 = arith.constant 0 : i32
    %dma_wait3A_19 = arith.constant 0 : i32
    %dma_wait3A_20 = arith.constant 0 : i32
    %dma_wait3A_21 = tpu.memref_slice %arg4[%dma_wait3A_18, %mul3A_0, %dma_wait3A_19, %dma_wait3A_20] : memref<25x32x8x128xi32, #tpu.memory_space<hbm>> -> memref<25x1x8x128xi32, #tpu.memory_space<hbm>>
    tpu.wait_dma2 semaphore(%arg10 : memref<!tpu.dma_semaphore, #tpu.memory_space<semaphore_mem>>) src(%dma_wait3A_21 : memref<25x1x8x128xi32, #tpu.memory_space<hbm>>) dst(%arg7 : memref<25x1x8x128xi32, #tpu.memory_space<vmem>>)
    %broadcast_in_dim3A = arith.constant 0.000000e+00 : f32
    %broadcast_in_dim3A_22 = vector.broadcast %broadcast_in_dim3A : f32 to vector<16xf32>
    %broadcast_in_dim3A_23 = arith.constant 0.000000e+00 : f32
    %broadcast_in_dim3A_24 = vector.broadcast %broadcast_in_dim3A_23 : f32 to vector<16xf32>
    %broadcast_in_dim3A_25 = arith.constant 0.000000e+00 : f32
    %broadcast_in_dim3A_26 = vector.broadcast %broadcast_in_dim3A_25 : f32 to vector<16xf32>
    %broadcast_in_dim3A_27 = arith.constant 0.000000e+00 : f32
    %broadcast_in_dim3A_28 = vector.broadcast %broadcast_in_dim3A_27 : f32 to vector<16xf32>
    %broadcast_in_dim3A_29 = arith.constant 0.000000e+00 : f32
    %broadcast_in_dim3A_30 = vector.broadcast %broadcast_in_dim3A_29 : f32 to vector<16xf32>
    %broadcast_in_dim3A_31 = arith.constant 0.000000e+00 : f32
    %broadcast_in_dim3A_32 = vector.broadcast %broadcast_in_dim3A_31 : f32 to vector<16xf32>
    %broadcast_in_dim3A_33 = arith.constant 0.000000e+00 : f32
    %broadcast_in_dim3A_34 = vector.broadcast %broadcast_in_dim3A_33 : f32 to vector<16xf32>
    %broadcast_in_dim3A_35 = arith.constant 0.000000e+00 : f32
    %broadcast_in_dim3A_36 = vector.broadcast %broadcast_in_dim3A_35 : f32 to vector<16xf32>
    %scan3A = arith.constant 0 : i32
    %scan3A_37 = arith.constant 25 : i32
    %scan3A_38 = arith.addi %scan3A, %scan3A_37 : i32
    %scan3A_39 = arith.constant 1 : i32
    %scan3A_40:8 = scf.for %scan3A_100 = %scan3A to %scan3A_38 step %scan3A_39 iter_args(%scan3A_101 = %broadcast_in_dim3A_22, %scan3A_102 = %broadcast_in_dim3A_24, %scan3A_103 = %broadcast_in_dim3A_26, %scan3A_104 = %broadcast_in_dim3A_28, %scan3A_105 = %broadcast_in_dim3A_30, %scan3A_106 = %broadcast_in_dim3A_32, %scan3A_107 = %broadcast_in_dim3A_34, %scan3A_108 = %broadcast_in_dim3A_36) -> (vector<16xf32>, vector<16xf32>, vector<16xf32>, vector<16xf32>, vector<16xf32>, vector<16xf32>, vector<16xf32>, vector<16xf32>)  : i32 {
      %get3A = arith.constant 0 : i32
      %get3A_109 = arith.constant 0 : i32
      %get3A_110 = arith.index_cast %scan3A_100 : i32 to index
      %get3A_111 = arith.index_cast %get3A : i32 to index
      %get3A_112 = arith.index_cast %get3A_109 : i32 to index
      %get3A_113 = arith.constant 0 : index
      %get3A_114 = tpu.vector_load %arg7[%get3A_110, %get3A_111, %get3A_112, %get3A_113] {strides = array<i32>} : memref<25x1x8x128xi32, #tpu.memory_space<vmem>>, vector<16xi32>,
      %gather3A = tpu.vector_load_idx %arg6[%get3A_114] : memref<102400xf32, #tpu.memory_space<vmem>>[vector<16xi32>], vector<16xf32>,
      %add3A_115 = arith.addf %scan3A_101, %gather3A : vector<16xf32>
      %get3A_116 = arith.constant 0 : i32
      %get3A_117 = arith.constant 0 : i32
      %get3A_118 = arith.index_cast %scan3A_100 : i32 to index
      %get3A_119 = arith.index_cast %get3A_116 : i32 to index
      %get3A_120 = arith.index_cast %get3A_117 : i32 to index
      %get3A_121 = arith.constant 16 : index
      %get3A_122 = tpu.vector_load %arg7[%get3A_118, %get3A_119, %get3A_120, %get3A_121] {strides = array<i32>} : memref<25x1x8x128xi32, #tpu.memory_space<vmem>>, vector<16xi32>,
      %gather3A_123 = tpu.vector_load_idx %arg6[%get3A_122] : memref<102400xf32, #tpu.memory_space<vmem>>[vector<16xi32>], vector<16xf32>,
      %add3A_124 = arith.addf %scan3A_102, %gather3A_123 : vector<16xf32>
      %get3A_125 = arith.constant 0 : i32
      %get3A_126 = arith.constant 0 : i32
      %get3A_127 = arith.index_cast %scan3A_100 : i32 to index
      %get3A_128 = arith.index_cast %get3A_125 : i32 to index
      %get3A_129 = arith.index_cast %get3A_126 : i32 to index
      %get3A_130 = arith.constant 32 : index
      %get3A_131 = tpu.vector_load %arg7[%get3A_127, %get3A_128, %get3A_129, %get3A_130] {strides = array<i32>} : memref<25x1x8x128xi32, #tpu.memory_space<vmem>>, vector<16xi32>,
      %gather3A_132 = tpu.vector_load_idx %arg6[%get3A_131] : memref<102400xf32, #tpu.memory_space<vmem>>[vector<16xi32>], vector<16xf32>,
      %add3A_133 = arith.addf %scan3A_103, %gather3A_132 : vector<16xf32>
      %get3A_134 = arith.constant 0 : i32
      %get3A_135 = arith.constant 0 : i32
      %get3A_136 = arith.index_cast %scan3A_100 : i32 to index
      %get3A_137 = arith.index_cast %get3A_134 : i32 to index
      %get3A_138 = arith.index_cast %get3A_135 : i32 to index
      %get3A_139 = arith.constant 48 : index
      %get3A_140 = tpu.vector_load %arg7[%get3A_136, %get3A_137, %get3A_138, %get3A_139] {strides = array<i32>} : memref<25x1x8x128xi32, #tpu.memory_space<vmem>>, vector<16xi32>,
      %gather3A_141 = tpu.vector_load_idx %arg6[%get3A_140] : memref<102400xf32, #tpu.memory_space<vmem>>[vector<16xi32>], vector<16xf32>,
      %add3A_142 = arith.addf %scan3A_104, %gather3A_141 : vector<16xf32>
      %get3A_143 = arith.constant 0 : i32
      %get3A_144 = arith.constant 0 : i32
      %get3A_145 = arith.index_cast %scan3A_100 : i32 to index
      %get3A_146 = arith.index_cast %get3A_143 : i32 to index
      %get3A_147 = arith.index_cast %get3A_144 : i32 to index
      %get3A_148 = arith.constant 64 : index
      %get3A_149 = tpu.vector_load %arg7[%get3A_145, %get3A_146, %get3A_147, %get3A_148] {strides = array<i32>} : memref<25x1x8x128xi32, #tpu.memory_space<vmem>>, vector<16xi32>,
      %gather3A_150 = tpu.vector_load_idx %arg6[%get3A_149] : memref<102400xf32, #tpu.memory_space<vmem>>[vector<16xi32>], vector<16xf32>,
      %add3A_151 = arith.addf %scan3A_105, %gather3A_150 : vector<16xf32>
      %get3A_152 = arith.constant 0 : i32
      %get3A_153 = arith.constant 0 : i32
      %get3A_154 = arith.index_cast %scan3A_100 : i32 to index
      %get3A_155 = arith.index_cast %get3A_152 : i32 to index
      %get3A_156 = arith.index_cast %get3A_153 : i32 to index
      %get3A_157 = arith.constant 80 : index
      %get3A_158 = tpu.vector_load %arg7[%get3A_154, %get3A_155, %get3A_156, %get3A_157] {strides = array<i32>} : memref<25x1x8x128xi32, #tpu.memory_space<vmem>>, vector<16xi32>,
      %gather3A_159 = tpu.vector_load_idx %arg6[%get3A_158] : memref<102400xf32, #tpu.memory_space<vmem>>[vector<16xi32>], vector<16xf32>,
      %add3A_160 = arith.addf %scan3A_106, %gather3A_159 : vector<16xf32>
      %get3A_161 = arith.constant 0 : i32
      %get3A_162 = arith.constant 0 : i32
      %get3A_163 = arith.index_cast %scan3A_100 : i32 to index
      %get3A_164 = arith.index_cast %get3A_161 : i32 to index
      %get3A_165 = arith.index_cast %get3A_162 : i32 to index
      %get3A_166 = arith.constant 96 : index
      %get3A_167 = tpu.vector_load %arg7[%get3A_163, %get3A_164, %get3A_165, %get3A_166] {strides = array<i32>} : memref<25x1x8x128xi32, #tpu.memory_space<vmem>>, vector<16xi32>,
      %gather3A_168 = tpu.vector_load_idx %arg6[%get3A_167] : memref<102400xf32, #tpu.memory_space<vmem>>[vector<16xi32>], vector<16xf32>,
      %add3A_169 = arith.addf %scan3A_107, %gather3A_168 : vector<16xf32>
      %get3A_170 = arith.constant 0 : i32
      %get3A_171 = arith.constant 0 : i32
      %get3A_172 = arith.index_cast %scan3A_100 : i32 to index
      %get3A_173 = arith.index_cast %get3A_170 : i32 to index
      %get3A_174 = arith.index_cast %get3A_171 : i32 to index
      %get3A_175 = arith.constant 112 : index
      %get3A_176 = tpu.vector_load %arg7[%get3A_172, %get3A_173, %get3A_174, %get3A_175] {strides = array<i32>} : memref<25x1x8x128xi32, #tpu.memory_space<vmem>>, vector<16xi32>,
      %gather3A_177 = tpu.vector_load_idx %arg6[%get3A_176] : memref<102400xf32, #tpu.memory_space<vmem>>[vector<16xi32>], vector<16xf32>,
      %add3A_178 = arith.addf %scan3A_108, %gather3A_177 : vector<16xf32>
      %get3A_179 = arith.constant 0 : i32
      %get3A_180 = arith.constant 1 : i32
      %get3A_181 = arith.index_cast %scan3A_100 : i32 to index
      %get3A_182 = arith.index_cast %get3A_179 : i32 to index
      %get3A_183 = arith.index_cast %get3A_180 : i32 to index
      %get3A_184 = arith.constant 0 : index
      %get3A_185 = tpu.vector_load %arg7[%get3A_181, %get3A_182, %get3A_183, %get3A_184] {strides = array<i32>} : memref<25x1x8x128xi32, #tpu.memory_space<vmem>>, vector<16xi32>,
      %gather3A_186 = tpu.vector_load_idx %arg6[%get3A_185] : memref<102400xf32, #tpu.memory_space<vmem>>[vector<16xi32>], vector<16xf32>,
      %add3A_187 = arith.addf %add3A_115, %gather3A_186 : vector<16xf32>
      %get3A_188 = arith.constant 0 : i32
      %get3A_189 = arith.constant 1 : i32
      %get3A_190 = arith.index_cast %scan3A_100 : i32 to index
      %get3A_191 = arith.index_cast %get3A_188 : i32 to index
      %get3A_192 = arith.index_cast %get3A_189 : i32 to index
      %get3A_193 = arith.constant 16 : index
      %get3A_194 = tpu.vector_load %arg7[%get3A_190, %get3A_191, %get3A_192, %get3A_193] {strides = array<i32>} : memref<25x1x8x128xi32, #tpu.memory_space<vmem>>, vector<16xi32>,
      %gather3A_195 = tpu.vector_load_idx %arg6[%get3A_194] : memref<102400xf32, #tpu.memory_space<vmem>>[vector<16xi32>], vector<16xf32>,
      %add3A_196 = arith.addf %add3A_124, %gather3A_195 : vector<16xf32>
      %get3A_197 = arith.constant 0 : i32
      %get3A_198 = arith.constant 1 : i32
      %get3A_199 = arith.index_cast %scan3A_100 : i32 to index
      %get3A_200 = arith.index_cast %get3A_197 : i32 to index
      %get3A_201 = arith.index_cast %get3A_198 : i32 to index
      %get3A_202 = arith.constant 32 : index
      %get3A_203 = tpu.vector_load %arg7[%get3A_199, %get3A_200, %get3A_201, %get3A_202] {strides = array<i32>} : memref<25x1x8x128xi32, #tpu.memory_space<vmem>>, vector<16xi32>,
      %gather3A_204 = tpu.vector_load_idx %arg6[%get3A_203] : memref<102400xf32, #tpu.memory_space<vmem>>[vector<16xi32>], vector<16xf32>,
      %add3A_205 = arith.addf %add3A_133, %gather3A_204 : vector<16xf32>
      %get3A_206 = arith.constant 0 : i32
      %get3A_207 = arith.constant 1 : i32
      %get3A_208 = arith.index_cast %scan3A_100 : i32 to index
      %get3A_209 = arith.index_cast %get3A_206 : i32 to index
      %get3A_210 = arith.index_cast %get3A_207 : i32 to index
      %get3A_211 = arith.constant 48 : index
      %get3A_212 = tpu.vector_load %arg7[%get3A_208, %get3A_209, %get3A_210, %get3A_211] {strides = array<i32>} : memref<25x1x8x128xi32, #tpu.memory_space<vmem>>, vector<16xi32>,
      %gather3A_213 = tpu.vector_load_idx %arg6[%get3A_212] : memref<102400xf32, #tpu.memory_space<vmem>>[vector<16xi32>], vector<16xf32>,
      %add3A_214 = arith.addf %add3A_142, %gather3A_213 : vector<16xf32>
      %get3A_215 = arith.constant 0 : i32
      %get3A_216 = arith.constant 1 : i32
      %get3A_217 = arith.index_cast %scan3A_100 : i32 to index
      %get3A_218 = arith.index_cast %get3A_215 : i32 to index
      %get3A_219 = arith.index_cast %get3A_216 : i32 to index
      %get3A_220 = arith.constant 64 : index
      %get3A_221 = tpu.vector_load %arg7[%get3A_217, %get3A_218, %get3A_219, %get3A_220] {strides = array<i32>} : memref<25x1x8x128xi32, #tpu.memory_space<vmem>>, vector<16xi32>,
      %gather3A_222 = tpu.vector_load_idx %arg6[%get3A_221] : memref<102400xf32, #tpu.memory_space<vmem>>[vector<16xi32>], vector<16xf32>,
      %add3A_223 = arith.addf %add3A_151, %gather3A_222 : vector<16xf32>
      %get3A_224 = arith.constant 0 : i32
      %get3A_225 = arith.constant 1 : i32
      %get3A_226 = arith.index_cast %scan3A_100 : i32 to index
      %get3A_227 = arith.index_cast %get3A_224 : i32 to index
      %get3A_228 = arith.index_cast %get3A_225 : i32 to index
      %get3A_229 = arith.constant 80 : index
      %get3A_230 = tpu.vector_load %arg7[%get3A_226, %get3A_227, %get3A_228, %get3A_229] {strides = array<i32>} : memref<25x1x8x128xi32, #tpu.memory_space<vmem>>, vector<16xi32>,
      %gather3A_231 = tpu.vector_load_idx %arg6[%get3A_230] : memref<102400xf32, #tpu.memory_space<vmem>>[vector<16xi32>], vector<16xf32>,
      %add3A_232 = arith.addf %add3A_160, %gather3A_231 : vector<16xf32>
      %get3A_233 = arith.constant 0 : i32
      %get3A_234 = arith.constant 1 : i32
      %get3A_235 = arith.index_cast %scan3A_100 : i32 to index
      %get3A_236 = arith.index_cast %get3A_233 : i32 to index
      %get3A_237 = arith.index_cast %get3A_234 : i32 to index
      %get3A_238 = arith.constant 96 : index
      %get3A_239 = tpu.vector_load %arg7[%get3A_235, %get3A_236, %get3A_237, %get3A_238] {strides = array<i32>} : memref<25x1x8x128xi32, #tpu.memory_space<vmem>>, vector<16xi32>,
      %gather3A_240 = tpu.vector_load_idx %arg6[%get3A_239] : memref<102400xf32, #tpu.memory_space<vmem>>[vector<16xi32>], vector<16xf32>,
      %add3A_241 = arith.addf %add3A_169, %gather3A_240 : vector<16xf32>
      %get3A_242 = arith.constant 0 : i32
      %get3A_243 = arith.constant 1 : i32
      %get3A_244 = arith.index_cast %scan3A_100 : i32 to index
      %get3A_245 = arith.index_cast %get3A_242 : i32 to index
      %get3A_246 = arith.index_cast %get3A_243 : i32 to index
      %get3A_247 = arith.constant 112 : index
      %get3A_248 = tpu.vector_load %arg7[%get3A_244, %get3A_245, %get3A_246, %get3A_247] {strides = array<i32>} : memref<25x1x8x128xi32, #tpu.memory_space<vmem>>, vector<16xi32>,
      %gather3A_249 = tpu.vector_load_idx %arg6[%get3A_248] : memref<102400xf32, #tpu.memory_space<vmem>>[vector<16xi32>], vector<16xf32>,
      %add3A_250 = arith.addf %add3A_178, %gather3A_249 : vector<16xf32>
      %get3A_251 = arith.constant 0 : i32
      %get3A_252 = arith.constant 2 : i32
      %get3A_253 = arith.index_cast %scan3A_100 : i32 to index
      %get3A_254 = arith.index_cast %get3A_251 : i32 to index
      %get3A_255 = arith.index_cast %get3A_252 : i32 to index
      %get3A_256 = arith.constant 0 : index
      %get3A_257 = tpu.vector_load %arg7[%get3A_253, %get3A_254, %get3A_255, %get3A_256] {strides = array<i32>} : memref<25x1x8x128xi32, #tpu.memory_space<vmem>>, vector<16xi32>,
      %gather3A_258 = tpu.vector_load_idx %arg6[%get3A_257] : memref<102400xf32, #tpu.memory_space<vmem>>[vector<16xi32>], vector<16xf32>,
      %add3A_259 = arith.addf %add3A_187, %gather3A_258 : vector<16xf32>
      %get3A_260 = arith.constant 0 : i32
      %get3A_261 = arith.constant 2 : i32
      %get3A_262 = arith.index_cast %scan3A_100 : i32 to index
      %get3A_263 = arith.index_cast %get3A_260 : i32 to index
      %get3A_264 = arith.index_cast %get3A_261 : i32 to index
      %get3A_265 = arith.constant 16 : index
      %get3A_266 = tpu.vector_load %arg7[%get3A_262, %get3A_263, %get3A_264, %get3A_265] {strides = array<i32>} : memref<25x1x8x128xi32, #tpu.memory_space<vmem>>, vector<16xi32>,
      %gather3A_267 = tpu.vector_load_idx %arg6[%get3A_266] : memref<102400xf32, #tpu.memory_space<vmem>>[vector<16xi32>], vector<16xf32>,
      %add3A_268 = arith.addf %add3A_196, %gather3A_267 : vector<16xf32>
      %get3A_269 = arith.constant 0 : i32
      %get3A_270 = arith.constant 2 : i32
      %get3A_271 = arith.index_cast %scan3A_100 : i32 to index
      %get3A_272 = arith.index_cast %get3A_269 : i32 to index
      %get3A_273 = arith.index_cast %get3A_270 : i32 to index
      %get3A_274 = arith.constant 32 : index
      %get3A_275 = tpu.vector_load %arg7[%get3A_271, %get3A_272, %get3A_273, %get3A_274] {strides = array<i32>} : memref<25x1x8x128xi32, #tpu.memory_space<vmem>>, vector<16xi32>,
      %gather3A_276 = tpu.vector_load_idx %arg6[%get3A_275] : memref<102400xf32, #tpu.memory_space<vmem>>[vector<16xi32>], vector<16xf32>,
      %add3A_277 = arith.addf %add3A_205, %gather3A_276 : vector<16xf32>
      %get3A_278 = arith.constant 0 : i32
      %get3A_279 = arith.constant 2 : i32
      %get3A_280 = arith.index_cast %scan3A_100 : i32 to index
      %get3A_281 = arith.index_cast %get3A_278 : i32 to index
      %get3A_282 = arith.index_cast %get3A_279 : i32 to index
      %get3A_283 = arith.constant 48 : index
      %get3A_284 = tpu.vector_load %arg7[%get3A_280, %get3A_281, %get3A_282, %get3A_283] {strides = array<i32>} : memref<25x1x8x128xi32, #tpu.memory_space<vmem>>, vector<16xi32>,
      %gather3A_285 = tpu.vector_load_idx %arg6[%get3A_284] : memref<102400xf32, #tpu.memory_space<vmem>>[vector<16xi32>], vector<16xf32>,
      %add3A_286 = arith.addf %add3A_214, %gather3A_285 : vector<16xf32>
      %get3A_287 = arith.constant 0 : i32
      %get3A_288 = arith.constant 2 : i32
      %get3A_289 = arith.index_cast %scan3A_100 : i32 to index
      %get3A_290 = arith.index_cast %get3A_287 : i32 to index
      %get3A_291 = arith.index_cast %get3A_288 : i32 to index
      %get3A_292 = arith.constant 64 : index
      %get3A_293 = tpu.vector_load %arg7[%get3A_289, %get3A_290, %get3A_291, %get3A_292] {strides = array<i32>} : memref<25x1x8x128xi32, #tpu.memory_space<vmem>>, vector<16xi32>,
      %gather3A_294 = tpu.vector_load_idx %arg6[%get3A_293] : memref<102400xf32, #tpu.memory_space<vmem>>[vector<16xi32>], vector<16xf32>,
      %add3A_295 = arith.addf %add3A_223, %gather3A_294 : vector<16xf32>
      %get3A_296 = arith.constant 0 : i32
      %get3A_297 = arith.constant 2 : i32
      %get3A_298 = arith.index_cast %scan3A_100 : i32 to index
      %get3A_299 = arith.index_cast %get3A_296 : i32 to index
      %get3A_300 = arith.index_cast %get3A_297 : i32 to index
      %get3A_301 = arith.constant 80 : index
      %get3A_302 = tpu.vector_load %arg7[%get3A_298, %get3A_299, %get3A_300, %get3A_301] {strides = array<i32>} : memref<25x1x8x128xi32, #tpu.memory_space<vmem>>, vector<16xi32>,
      %gather3A_303 = tpu.vector_load_idx %arg6[%get3A_302] : memref<102400xf32, #tpu.memory_space<vmem>>[vector<16xi32>], vector<16xf32>,
      %add3A_304 = arith.addf %add3A_232, %gather3A_303 : vector<16xf32>
      %get3A_305 = arith.constant 0 : i32
      %get3A_306 = arith.constant 2 : i32
      %get3A_307 = arith.index_cast %scan3A_100 : i32 to index
      %get3A_308 = arith.index_cast %get3A_305 : i32 to index
      %get3A_309 = arith.index_cast %get3A_306 : i32 to index
      %get3A_310 = arith.constant 96 : index
      %get3A_311 = tpu.vector_load %arg7[%get3A_307, %get3A_308, %get3A_309, %get3A_310] {strides = array<i32>} : memref<25x1x8x128xi32, #tpu.memory_space<vmem>>, vector<16xi32>,
      %gather3A_312 = tpu.vector_load_idx %arg6[%get3A_311] : memref<102400xf32, #tpu.memory_space<vmem>>[vector<16xi32>], vector<16xf32>,
      %add3A_313 = arith.addf %add3A_241, %gather3A_312 : vector<16xf32>
      %get3A_314 = arith.constant 0 : i32
      %get3A_315 = arith.constant 2 : i32
      %get3A_316 = arith.index_cast %scan3A_100 : i32 to index
      %get3A_317 = arith.index_cast %get3A_314 : i32 to index
      %get3A_318 = arith.index_cast %get3A_315 : i32 to index
      %get3A_319 = arith.constant 112 : index
      %get3A_320 = tpu.vector_load %arg7[%get3A_316, %get3A_317, %get3A_318, %get3A_319] {strides = array<i32>} : memref<25x1x8x128xi32, #tpu.memory_space<vmem>>, vector<16xi32>,
      %gather3A_321 = tpu.vector_load_idx %arg6[%get3A_320] : memref<102400xf32, #tpu.memory_space<vmem>>[vector<16xi32>], vector<16xf32>,
      %add3A_322 = arith.addf %add3A_250, %gather3A_321 : vector<16xf32>
      %get3A_323 = arith.constant 0 : i32
      %get3A_324 = arith.constant 3 : i32
      %get3A_325 = arith.index_cast %scan3A_100 : i32 to index
      %get3A_326 = arith.index_cast %get3A_323 : i32 to index
      %get3A_327 = arith.index_cast %get3A_324 : i32 to index
      %get3A_328 = arith.constant 0 : index
      %get3A_329 = tpu.vector_load %arg7[%get3A_325, %get3A_326, %get3A_327, %get3A_328] {strides = array<i32>} : memref<25x1x8x128xi32, #tpu.memory_space<vmem>>, vector<16xi32>,
      %gather3A_330 = tpu.vector_load_idx %arg6[%get3A_329] : memref<102400xf32, #tpu.memory_space<vmem>>[vector<16xi32>], vector<16xf32>,
      %add3A_331 = arith.addf %add3A_259, %gather3A_330 : vector<16xf32>
      %get3A_332 = arith.constant 0 : i32
      %get3A_333 = arith.constant 3 : i32
      %get3A_334 = arith.index_cast %scan3A_100 : i32 to index
      %get3A_335 = arith.index_cast %get3A_332 : i32 to index
      %get3A_336 = arith.index_cast %get3A_333 : i32 to index
      %get3A_337 = arith.constant 16 : index
      %get3A_338 = tpu.vector_load %arg7[%get3A_334, %get3A_335, %get3A_336, %get3A_337] {strides = array<i32>} : memref<25x1x8x128xi32, #tpu.memory_space<vmem>>, vector<16xi32>,
      %gather3A_339 = tpu.vector_load_idx %arg6[%get3A_338] : memref<102400xf32, #tpu.memory_space<vmem>>[vector<16xi32>], vector<16xf32>,
      %add3A_340 = arith.addf %add3A_268, %gather3A_339 : vector<16xf32>
      %get3A_341 = arith.constant 0 : i32
      %get3A_342 = arith.constant 3 : i32
      %get3A_343 = arith.index_cast %scan3A_100 : i32 to index
      %get3A_344 = arith.index_cast %get3A_341 : i32 to index
      %get3A_345 = arith.index_cast %get3A_342 : i32 to index
      %get3A_346 = arith.constant 32 : index
      %get3A_347 = tpu.vector_load %arg7[%get3A_343, %get3A_344, %get3A_345, %get3A_346] {strides = array<i32>} : memref<25x1x8x128xi32, #tpu.memory_space<vmem>>, vector<16xi32>,
      %gather3A_348 = tpu.vector_load_idx %arg6[%get3A_347] : memref<102400xf32, #tpu.memory_space<vmem>>[vector<16xi32>], vector<16xf32>,
      %add3A_349 = arith.addf %add3A_277, %gather3A_348 : vector<16xf32>
      %get3A_350 = arith.constant 0 : i32
      %get3A_351 = arith.constant 3 : i32
      %get3A_352 = arith.index_cast %scan3A_100 : i32 to index
      %get3A_353 = arith.index_cast %get3A_350 : i32 to index
      %get3A_354 = arith.index_cast %get3A_351 : i32 to index
      %get3A_355 = arith.constant 48 : index
      %get3A_356 = tpu.vector_load %arg7[%get3A_352, %get3A_353, %get3A_354, %get3A_355] {strides = array<i32>} : memref<25x1x8x128xi32, #tpu.memory_space<vmem>>, vector<16xi32>,
      %gather3A_357 = tpu.vector_load_idx %arg6[%get3A_356] : memref<102400xf32, #tpu.memory_space<vmem>>[vector<16xi32>], vector<16xf32>,
      %add3A_358 = arith.addf %add3A_286, %gather3A_357 : vector<16xf32>
      %get3A_359 = arith.constant 0 : i32
      %get3A_360 = arith.constant 3 : i32
      %get3A_361 = arith.index_cast %scan3A_100 : i32 to index
      %get3A_362 = arith.index_cast %get3A_359 : i32 to index
      %get3A_363 = arith.index_cast %get3A_360 : i32 to index
      %get3A_364 = arith.constant 64 : index
      %get3A_365 = tpu.vector_load %arg7[%get3A_361, %get3A_362, %get3A_363, %get3A_364] {strides = array<i32>} : memref<25x1x8x128xi32, #tpu.memory_space<vmem>>, vector<16xi32>,
      %gather3A_366 = tpu.vector_load_idx %arg6[%get3A_365] : memref<102400xf32, #tpu.memory_space<vmem>>[vector<16xi32>], vector<16xf32>,
      %add3A_367 = arith.addf %add3A_295, %gather3A_366 : vector<16xf32>
      %get3A_368 = arith.constant 0 : i32
      %get3A_369 = arith.constant 3 : i32
      %get3A_370 = arith.index_cast %scan3A_100 : i32 to index
      %get3A_371 = arith.index_cast %get3A_368 : i32 to index
      %get3A_372 = arith.index_cast %get3A_369 : i32 to index
      %get3A_373 = arith.constant 80 : index
      %get3A_374 = tpu.vector_load %arg7[%get3A_370, %get3A_371, %get3A_372, %get3A_373] {strides = array<i32>} : memref<25x1x8x128xi32, #tpu.memory_space<vmem>>, vector<16xi32>,
      %gather3A_375 = tpu.vector_load_idx %arg6[%get3A_374] : memref<102400xf32, #tpu.memory_space<vmem>>[vector<16xi32>], vector<16xf32>,
      %add3A_376 = arith.addf %add3A_304, %gather3A_375 : vector<16xf32>
      %get3A_377 = arith.constant 0 : i32
      %get3A_378 = arith.constant 3 : i32
      %get3A_379 = arith.index_cast %scan3A_100 : i32 to index
      %get3A_380 = arith.index_cast %get3A_377 : i32 to index
      %get3A_381 = arith.index_cast %get3A_378 : i32 to index
      %get3A_382 = arith.constant 96 : index
      %get3A_383 = tpu.vector_load %arg7[%get3A_379, %get3A_380, %get3A_381, %get3A_382] {strides = array<i32>} : memref<25x1x8x128xi32, #tpu.memory_space<vmem>>, vector<16xi32>,
      %gather3A_384 = tpu.vector_load_idx %arg6[%get3A_383] : memref<102400xf32, #tpu.memory_space<vmem>>[vector<16xi32>], vector<16xf32>,
      %add3A_385 = arith.addf %add3A_313, %gather3A_384 : vector<16xf32>
      %get3A_386 = arith.constant 0 : i32
      %get3A_387 = arith.constant 3 : i32
      %get3A_388 = arith.index_cast %scan3A_100 : i32 to index
      %get3A_389 = arith.index_cast %get3A_386 : i32 to index
      %get3A_390 = arith.index_cast %get3A_387 : i32 to index
      %get3A_391 = arith.constant 112 : index
      %get3A_392 = tpu.vector_load %arg7[%get3A_388, %get3A_389, %get3A_390, %get3A_391] {strides = array<i32>} : memref<25x1x8x128xi32, #tpu.memory_space<vmem>>, vector<16xi32>,
      %gather3A_393 = tpu.vector_load_idx %arg6[%get3A_392] : memref<102400xf32, #tpu.memory_space<vmem>>[vector<16xi32>], vector<16xf32>,
      %add3A_394 = arith.addf %add3A_322, %gather3A_393 : vector<16xf32>
      %get3A_395 = arith.constant 0 : i32
      %get3A_396 = arith.constant 4 : i32
      %get3A_397 = arith.index_cast %scan3A_100 : i32 to index
      %get3A_398 = arith.index_cast %get3A_395 : i32 to index
      %get3A_399 = arith.index_cast %get3A_396 : i32 to index
      %get3A_400 = arith.constant 0 : index
      %get3A_401 = tpu.vector_load %arg7[%get3A_397, %get3A_398, %get3A_399, %get3A_400] {strides = array<i32>} : memref<25x1x8x128xi32, #tpu.memory_space<vmem>>, vector<16xi32>,
      %gather3A_402 = tpu.vector_load_idx %arg6[%get3A_401] : memref<102400xf32, #tpu.memory_space<vmem>>[vector<16xi32>], vector<16xf32>,
      %add3A_403 = arith.addf %add3A_331, %gather3A_402 : vector<16xf32>
      %get3A_404 = arith.constant 0 : i32
      %get3A_405 = arith.constant 4 : i32
      %get3A_406 = arith.index_cast %scan3A_100 : i32 to index
      %get3A_407 = arith.index_cast %get3A_404 : i32 to index
      %get3A_408 = arith.index_cast %get3A_405 : i32 to index
      %get3A_409 = arith.constant 16 : index
      %get3A_410 = tpu.vector_load %arg7[%get3A_406, %get3A_407, %get3A_408, %get3A_409] {strides = array<i32>} : memref<25x1x8x128xi32, #tpu.memory_space<vmem>>, vector<16xi32>,
      %gather3A_411 = tpu.vector_load_idx %arg6[%get3A_410] : memref<102400xf32, #tpu.memory_space<vmem>>[vector<16xi32>], vector<16xf32>,
      %add3A_412 = arith.addf %add3A_340, %gather3A_411 : vector<16xf32>
      %get3A_413 = arith.constant 0 : i32
      %get3A_414 = arith.constant 4 : i32
      %get3A_415 = arith.index_cast %scan3A_100 : i32 to index
      %get3A_416 = arith.index_cast %get3A_413 : i32 to index
      %get3A_417 = arith.index_cast %get3A_414 : i32 to index
      %get3A_418 = arith.constant 32 : index
      %get3A_419 = tpu.vector_load %arg7[%get3A_415, %get3A_416, %get3A_417, %get3A_418] {strides = array<i32>} : memref<25x1x8x128xi32, #tpu.memory_space<vmem>>, vector<16xi32>,
      %gather3A_420 = tpu.vector_load_idx %arg6[%get3A_419] : memref<102400xf32, #tpu.memory_space<vmem>>[vector<16xi32>], vector<16xf32>,
      %add3A_421 = arith.addf %add3A_349, %gather3A_420 : vector<16xf32>
      %get3A_422 = arith.constant 0 : i32
      %get3A_423 = arith.constant 4 : i32
      %get3A_424 = arith.index_cast %scan3A_100 : i32 to index
      %get3A_425 = arith.index_cast %get3A_422 : i32 to index
      %get3A_426 = arith.index_cast %get3A_423 : i32 to index
      %get3A_427 = arith.constant 48 : index
      %get3A_428 = tpu.vector_load %arg7[%get3A_424, %get3A_425, %get3A_426, %get3A_427] {strides = array<i32>} : memref<25x1x8x128xi32, #tpu.memory_space<vmem>>, vector<16xi32>,
      %gather3A_429 = tpu.vector_load_idx %arg6[%get3A_428] : memref<102400xf32, #tpu.memory_space<vmem>>[vector<16xi32>], vector<16xf32>,
      %add3A_430 = arith.addf %add3A_358, %gather3A_429 : vector<16xf32>
      %get3A_431 = arith.constant 0 : i32
      %get3A_432 = arith.constant 4 : i32
      %get3A_433 = arith.index_cast %scan3A_100 : i32 to index
      %get3A_434 = arith.index_cast %get3A_431 : i32 to index
      %get3A_435 = arith.index_cast %get3A_432 : i32 to index
      %get3A_436 = arith.constant 64 : index
      %get3A_437 = tpu.vector_load %arg7[%get3A_433, %get3A_434, %get3A_435, %get3A_436] {strides = array<i32>} : memref<25x1x8x128xi32, #tpu.memory_space<vmem>>, vector<16xi32>,
      %gather3A_438 = tpu.vector_load_idx %arg6[%get3A_437] : memref<102400xf32, #tpu.memory_space<vmem>>[vector<16xi32>], vector<16xf32>,
      %add3A_439 = arith.addf %add3A_367, %gather3A_438 : vector<16xf32>
      %get3A_440 = arith.constant 0 : i32
      %get3A_441 = arith.constant 4 : i32
      %get3A_442 = arith.index_cast %scan3A_100 : i32 to index
      %get3A_443 = arith.index_cast %get3A_440 : i32 to index
      %get3A_444 = arith.index_cast %get3A_441 : i32 to index
      %get3A_445 = arith.constant 80 : index
      %get3A_446 = tpu.vector_load %arg7[%get3A_442, %get3A_443, %get3A_444, %get3A_445] {strides = array<i32>} : memref<25x1x8x128xi32, #tpu.memory_space<vmem>>, vector<16xi32>,
      %gather3A_447 = tpu.vector_load_idx %arg6[%get3A_446] : memref<102400xf32, #tpu.memory_space<vmem>>[vector<16xi32>], vector<16xf32>,
      %add3A_448 = arith.addf %add3A_376, %gather3A_447 : vector<16xf32>
      %get3A_449 = arith.constant 0 : i32
      %get3A_450 = arith.constant 4 : i32
      %get3A_451 = arith.index_cast %scan3A_100 : i32 to index
      %get3A_452 = arith.index_cast %get3A_449 : i32 to index
      %get3A_453 = arith.index_cast %get3A_450 : i32 to index
      %get3A_454 = arith.constant 96 : index
      %get3A_455 = tpu.vector_load %arg7[%get3A_451, %get3A_452, %get3A_453, %get3A_454] {strides = array<i32>} : memref<25x1x8x128xi32, #tpu.memory_space<vmem>>, vector<16xi32>,
      %gather3A_456 = tpu.vector_load_idx %arg6[%get3A_455] : memref<102400xf32, #tpu.memory_space<vmem>>[vector<16xi32>], vector<16xf32>,
      %add3A_457 = arith.addf %add3A_385, %gather3A_456 : vector<16xf32>
      %get3A_458 = arith.constant 0 : i32
      %get3A_459 = arith.constant 4 : i32
      %get3A_460 = arith.index_cast %scan3A_100 : i32 to index
      %get3A_461 = arith.index_cast %get3A_458 : i32 to index
      %get3A_462 = arith.index_cast %get3A_459 : i32 to index
      %get3A_463 = arith.constant 112 : index
      %get3A_464 = tpu.vector_load %arg7[%get3A_460, %get3A_461, %get3A_462, %get3A_463] {strides = array<i32>} : memref<25x1x8x128xi32, #tpu.memory_space<vmem>>, vector<16xi32>,
      %gather3A_465 = tpu.vector_load_idx %arg6[%get3A_464] : memref<102400xf32, #tpu.memory_space<vmem>>[vector<16xi32>], vector<16xf32>,
      %add3A_466 = arith.addf %add3A_394, %gather3A_465 : vector<16xf32>
      %get3A_467 = arith.constant 0 : i32
      %get3A_468 = arith.constant 5 : i32
      %get3A_469 = arith.index_cast %scan3A_100 : i32 to index
      %get3A_470 = arith.index_cast %get3A_467 : i32 to index
      %get3A_471 = arith.index_cast %get3A_468 : i32 to index
      %get3A_472 = arith.constant 0 : index
      %get3A_473 = tpu.vector_load %arg7[%get3A_469, %get3A_470, %get3A_471, %get3A_472] {strides = array<i32>} : memref<25x1x8x128xi32, #tpu.memory_space<vmem>>, vector<16xi32>,
      %gather3A_474 = tpu.vector_load_idx %arg6[%get3A_473] : memref<102400xf32, #tpu.memory_space<vmem>>[vector<16xi32>], vector<16xf32>,
      %add3A_475 = arith.addf %add3A_403, %gather3A_474 : vector<16xf32>
      %get3A_476 = arith.constant 0 : i32
      %get3A_477 = arith.constant 5 : i32
      %get3A_478 = arith.index_cast %scan3A_100 : i32 to index
      %get3A_479 = arith.index_cast %get3A_476 : i32 to index
      %get3A_480 = arith.index_cast %get3A_477 : i32 to index
      %get3A_481 = arith.constant 16 : index
      %get3A_482 = tpu.vector_load %arg7[%get3A_478, %get3A_479, %get3A_480, %get3A_481] {strides = array<i32>} : memref<25x1x8x128xi32, #tpu.memory_space<vmem>>, vector<16xi32>,
      %gather3A_483 = tpu.vector_load_idx %arg6[%get3A_482] : memref<102400xf32, #tpu.memory_space<vmem>>[vector<16xi32>], vector<16xf32>,
      %add3A_484 = arith.addf %add3A_412, %gather3A_483 : vector<16xf32>
      %get3A_485 = arith.constant 0 : i32
      %get3A_486 = arith.constant 5 : i32
      %get3A_487 = arith.index_cast %scan3A_100 : i32 to index
      %get3A_488 = arith.index_cast %get3A_485 : i32 to index
      %get3A_489 = arith.index_cast %get3A_486 : i32 to index
      %get3A_490 = arith.constant 32 : index
      %get3A_491 = tpu.vector_load %arg7[%get3A_487, %get3A_488, %get3A_489, %get3A_490] {strides = array<i32>} : memref<25x1x8x128xi32, #tpu.memory_space<vmem>>, vector<16xi32>,
      %gather3A_492 = tpu.vector_load_idx %arg6[%get3A_491] : memref<102400xf32, #tpu.memory_space<vmem>>[vector<16xi32>], vector<16xf32>,
      %add3A_493 = arith.addf %add3A_421, %gather3A_492 : vector<16xf32>
      %get3A_494 = arith.constant 0 : i32
      %get3A_495 = arith.constant 5 : i32
      %get3A_496 = arith.index_cast %scan3A_100 : i32 to index
      %get3A_497 = arith.index_cast %get3A_494 : i32 to index
      %get3A_498 = arith.index_cast %get3A_495 : i32 to index
      %get3A_499 = arith.constant 48 : index
      %get3A_500 = tpu.vector_load %arg7[%get3A_496, %get3A_497, %get3A_498, %get3A_499] {strides = array<i32>} : memref<25x1x8x128xi32, #tpu.memory_space<vmem>>, vector<16xi32>,
      %gather3A_501 = tpu.vector_load_idx %arg6[%get3A_500] : memref<102400xf32, #tpu.memory_space<vmem>>[vector<16xi32>], vector<16xf32>,
      %add3A_502 = arith.addf %add3A_430, %gather3A_501 : vector<16xf32>
      %get3A_503 = arith.constant 0 : i32
      %get3A_504 = arith.constant 5 : i32
      %get3A_505 = arith.index_cast %scan3A_100 : i32 to index
      %get3A_506 = arith.index_cast %get3A_503 : i32 to index
      %get3A_507 = arith.index_cast %get3A_504 : i32 to index
      %get3A_508 = arith.constant 64 : index
      %get3A_509 = tpu.vector_load %arg7[%get3A_505, %get3A_506, %get3A_507, %get3A_508] {strides = array<i32>} : memref<25x1x8x128xi32, #tpu.memory_space<vmem>>, vector<16xi32>,
      %gather3A_510 = tpu.vector_load_idx %arg6[%get3A_509] : memref<102400xf32, #tpu.memory_space<vmem>>[vector<16xi32>], vector<16xf32>,
      %add3A_511 = arith.addf %add3A_439, %gather3A_510 : vector<16xf32>
      %get3A_512 = arith.constant 0 : i32
      %get3A_513 = arith.constant 5 : i32
      %get3A_514 = arith.index_cast %scan3A_100 : i32 to index
      %get3A_515 = arith.index_cast %get3A_512 : i32 to index
      %get3A_516 = arith.index_cast %get3A_513 : i32 to index
      %get3A_517 = arith.constant 80 : index
      %get3A_518 = tpu.vector_load %arg7[%get3A_514, %get3A_515, %get3A_516, %get3A_517] {strides = array<i32>} : memref<25x1x8x128xi32, #tpu.memory_space<vmem>>, vector<16xi32>,
      %gather3A_519 = tpu.vector_load_idx %arg6[%get3A_518] : memref<102400xf32, #tpu.memory_space<vmem>>[vector<16xi32>], vector<16xf32>,
      %add3A_520 = arith.addf %add3A_448, %gather3A_519 : vector<16xf32>
      %get3A_521 = arith.constant 0 : i32
      %get3A_522 = arith.constant 5 : i32
      %get3A_523 = arith.index_cast %scan3A_100 : i32 to index
      %get3A_524 = arith.index_cast %get3A_521 : i32 to index
      %get3A_525 = arith.index_cast %get3A_522 : i32 to index
      %get3A_526 = arith.constant 96 : index
      %get3A_527 = tpu.vector_load %arg7[%get3A_523, %get3A_524, %get3A_525, %get3A_526] {strides = array<i32>} : memref<25x1x8x128xi32, #tpu.memory_space<vmem>>, vector<16xi32>,
      %gather3A_528 = tpu.vector_load_idx %arg6[%get3A_527] : memref<102400xf32, #tpu.memory_space<vmem>>[vector<16xi32>], vector<16xf32>,
      %add3A_529 = arith.addf %add3A_457, %gather3A_528 : vector<16xf32>
      %get3A_530 = arith.constant 0 : i32
      %get3A_531 = arith.constant 5 : i32
      %get3A_532 = arith.index_cast %scan3A_100 : i32 to index
      %get3A_533 = arith.index_cast %get3A_530 : i32 to index
      %get3A_534 = arith.index_cast %get3A_531 : i32 to index
      %get3A_535 = arith.constant 112 : index
      %get3A_536 = tpu.vector_load %arg7[%get3A_532, %get3A_533, %get3A_534, %get3A_535] {strides = array<i32>} : memref<25x1x8x128xi32, #tpu.memory_space<vmem>>, vector<16xi32>,
      %gather3A_537 = tpu.vector_load_idx %arg6[%get3A_536] : memref<102400xf32, #tpu.memory_space<vmem>>[vector<16xi32>], vector<16xf32>,
      %add3A_538 = arith.addf %add3A_466, %gather3A_537 : vector<16xf32>
      %get3A_539 = arith.constant 0 : i32
      %get3A_540 = arith.constant 6 : i32
      %get3A_541 = arith.index_cast %scan3A_100 : i32 to index
      %get3A_542 = arith.index_cast %get3A_539 : i32 to index
      %get3A_543 = arith.index_cast %get3A_540 : i32 to index
      %get3A_544 = arith.constant 0 : index
      %get3A_545 = tpu.vector_load %arg7[%get3A_541, %get3A_542, %get3A_543, %get3A_544] {strides = array<i32>} : memref<25x1x8x128xi32, #tpu.memory_space<vmem>>, vector<16xi32>,
      %gather3A_546 = tpu.vector_load_idx %arg6[%get3A_545] : memref<102400xf32, #tpu.memory_space<vmem>>[vector<16xi32>], vector<16xf32>,
      %add3A_547 = arith.addf %add3A_475, %gather3A_546 : vector<16xf32>
      %get3A_548 = arith.constant 0 : i32
      %get3A_549 = arith.constant 6 : i32
      %get3A_550 = arith.index_cast %scan3A_100 : i32 to index
      %get3A_551 = arith.index_cast %get3A_548 : i32 to index
      %get3A_552 = arith.index_cast %get3A_549 : i32 to index
      %get3A_553 = arith.constant 16 : index
      %get3A_554 = tpu.vector_load %arg7[%get3A_550, %get3A_551, %get3A_552, %get3A_553] {strides = array<i32>} : memref<25x1x8x128xi32, #tpu.memory_space<vmem>>, vector<16xi32>,
      %gather3A_555 = tpu.vector_load_idx %arg6[%get3A_554] : memref<102400xf32, #tpu.memory_space<vmem>>[vector<16xi32>], vector<16xf32>,
      %add3A_556 = arith.addf %add3A_484, %gather3A_555 : vector<16xf32>
      %get3A_557 = arith.constant 0 : i32
      %get3A_558 = arith.constant 6 : i32
      %get3A_559 = arith.index_cast %scan3A_100 : i32 to index
      %get3A_560 = arith.index_cast %get3A_557 : i32 to index
      %get3A_561 = arith.index_cast %get3A_558 : i32 to index
      %get3A_562 = arith.constant 32 : index
      %get3A_563 = tpu.vector_load %arg7[%get3A_559, %get3A_560, %get3A_561, %get3A_562] {strides = array<i32>} : memref<25x1x8x128xi32, #tpu.memory_space<vmem>>, vector<16xi32>,
      %gather3A_564 = tpu.vector_load_idx %arg6[%get3A_563] : memref<102400xf32, #tpu.memory_space<vmem>>[vector<16xi32>], vector<16xf32>,
      %add3A_565 = arith.addf %add3A_493, %gather3A_564 : vector<16xf32>
      %get3A_566 = arith.constant 0 : i32
      %get3A_567 = arith.constant 6 : i32
      %get3A_568 = arith.index_cast %scan3A_100 : i32 to index
      %get3A_569 = arith.index_cast %get3A_566 : i32 to index
      %get3A_570 = arith.index_cast %get3A_567 : i32 to index
      %get3A_571 = arith.constant 48 : index
      %get3A_572 = tpu.vector_load %arg7[%get3A_568, %get3A_569, %get3A_570, %get3A_571] {strides = array<i32>} : memref<25x1x8x128xi32, #tpu.memory_space<vmem>>, vector<16xi32>,
      %gather3A_573 = tpu.vector_load_idx %arg6[%get3A_572] : memref<102400xf32, #tpu.memory_space<vmem>>[vector<16xi32>], vector<16xf32>,
      %add3A_574 = arith.addf %add3A_502, %gather3A_573 : vector<16xf32>
      %get3A_575 = arith.constant 0 : i32
      %get3A_576 = arith.constant 6 : i32
      %get3A_577 = arith.index_cast %scan3A_100 : i32 to index
      %get3A_578 = arith.index_cast %get3A_575 : i32 to index
      %get3A_579 = arith.index_cast %get3A_576 : i32 to index
      %get3A_580 = arith.constant 64 : index
      %get3A_581 = tpu.vector_load %arg7[%get3A_577, %get3A_578, %get3A_579, %get3A_580] {strides = array<i32>} : memref<25x1x8x128xi32, #tpu.memory_space<vmem>>, vector<16xi32>,
      %gather3A_582 = tpu.vector_load_idx %arg6[%get3A_581] : memref<102400xf32, #tpu.memory_space<vmem>>[vector<16xi32>], vector<16xf32>,
      %add3A_583 = arith.addf %add3A_511, %gather3A_582 : vector<16xf32>
      %get3A_584 = arith.constant 0 : i32
      %get3A_585 = arith.constant 6 : i32
      %get3A_586 = arith.index_cast %scan3A_100 : i32 to index
      %get3A_587 = arith.index_cast %get3A_584 : i32 to index
      %get3A_588 = arith.index_cast %get3A_585 : i32 to index
      %get3A_589 = arith.constant 80 : index
      %get3A_590 = tpu.vector_load %arg7[%get3A_586, %get3A_587, %get3A_588, %get3A_589] {strides = array<i32>} : memref<25x1x8x128xi32, #tpu.memory_space<vmem>>, vector<16xi32>,
      %gather3A_591 = tpu.vector_load_idx %arg6[%get3A_590] : memref<102400xf32, #tpu.memory_space<vmem>>[vector<16xi32>], vector<16xf32>,
      %add3A_592 = arith.addf %add3A_520, %gather3A_591 : vector<16xf32>
      %get3A_593 = arith.constant 0 : i32
      %get3A_594 = arith.constant 6 : i32
      %get3A_595 = arith.index_cast %scan3A_100 : i32 to index
      %get3A_596 = arith.index_cast %get3A_593 : i32 to index
      %get3A_597 = arith.index_cast %get3A_594 : i32 to index
      %get3A_598 = arith.constant 96 : index
      %get3A_599 = tpu.vector_load %arg7[%get3A_595, %get3A_596, %get3A_597, %get3A_598] {strides = array<i32>} : memref<25x1x8x128xi32, #tpu.memory_space<vmem>>, vector<16xi32>,
      %gather3A_600 = tpu.vector_load_idx %arg6[%get3A_599] : memref<102400xf32, #tpu.memory_space<vmem>>[vector<16xi32>], vector<16xf32>,
      %add3A_601 = arith.addf %add3A_529, %gather3A_600 : vector<16xf32>
      %get3A_602 = arith.constant 0 : i32
      %get3A_603 = arith.constant 6 : i32
      %get3A_604 = arith.index_cast %scan3A_100 : i32 to index
      %get3A_605 = arith.index_cast %get3A_602 : i32 to index
      %get3A_606 = arith.index_cast %get3A_603 : i32 to index
      %get3A_607 = arith.constant 112 : index
      %get3A_608 = tpu.vector_load %arg7[%get3A_604, %get3A_605, %get3A_606, %get3A_607] {strides = array<i32>} : memref<25x1x8x128xi32, #tpu.memory_space<vmem>>, vector<16xi32>,
      %gather3A_609 = tpu.vector_load_idx %arg6[%get3A_608] : memref<102400xf32, #tpu.memory_space<vmem>>[vector<16xi32>], vector<16xf32>,
      %add3A_610 = arith.addf %add3A_538, %gather3A_609 : vector<16xf32>
      %get3A_611 = arith.constant 0 : i32
      %get3A_612 = arith.constant 7 : i32
      %get3A_613 = arith.index_cast %scan3A_100 : i32 to index
      %get3A_614 = arith.index_cast %get3A_611 : i32 to index
      %get3A_615 = arith.index_cast %get3A_612 : i32 to index
      %get3A_616 = arith.constant 0 : index
      %get3A_617 = tpu.vector_load %arg7[%get3A_613, %get3A_614, %get3A_615, %get3A_616] {strides = array<i32>} : memref<25x1x8x128xi32, #tpu.memory_space<vmem>>, vector<16xi32>,
      %gather3A_618 = tpu.vector_load_idx %arg6[%get3A_617] : memref<102400xf32, #tpu.memory_space<vmem>>[vector<16xi32>], vector<16xf32>,
      %add3A_619 = arith.addf %add3A_547, %gather3A_618 : vector<16xf32>
      %get3A_620 = arith.constant 0 : i32
      %get3A_621 = arith.constant 7 : i32
      %get3A_622 = arith.index_cast %scan3A_100 : i32 to index
      %get3A_623 = arith.index_cast %get3A_620 : i32 to index
      %get3A_624 = arith.index_cast %get3A_621 : i32 to index
      %get3A_625 = arith.constant 16 : index
      %get3A_626 = tpu.vector_load %arg7[%get3A_622, %get3A_623, %get3A_624, %get3A_625] {strides = array<i32>} : memref<25x1x8x128xi32, #tpu.memory_space<vmem>>, vector<16xi32>,
      %gather3A_627 = tpu.vector_load_idx %arg6[%get3A_626] : memref<102400xf32, #tpu.memory_space<vmem>>[vector<16xi32>], vector<16xf32>,
      %add3A_628 = arith.addf %add3A_556, %gather3A_627 : vector<16xf32>
      %get3A_629 = arith.constant 0 : i32
      %get3A_630 = arith.constant 7 : i32
      %get3A_631 = arith.index_cast %scan3A_100 : i32 to index
      %get3A_632 = arith.index_cast %get3A_629 : i32 to index
      %get3A_633 = arith.index_cast %get3A_630 : i32 to index
      %get3A_634 = arith.constant 32 : index
      %get3A_635 = tpu.vector_load %arg7[%get3A_631, %get3A_632, %get3A_633, %get3A_634] {strides = array<i32>} : memref<25x1x8x128xi32, #tpu.memory_space<vmem>>, vector<16xi32>,
      %gather3A_636 = tpu.vector_load_idx %arg6[%get3A_635] : memref<102400xf32, #tpu.memory_space<vmem>>[vector<16xi32>], vector<16xf32>,
      %add3A_637 = arith.addf %add3A_565, %gather3A_636 : vector<16xf32>
      %get3A_638 = arith.constant 0 : i32
      %get3A_639 = arith.constant 7 : i32
      %get3A_640 = arith.index_cast %scan3A_100 : i32 to index
      %get3A_641 = arith.index_cast %get3A_638 : i32 to index
      %get3A_642 = arith.index_cast %get3A_639 : i32 to index
      %get3A_643 = arith.constant 48 : index
      %get3A_644 = tpu.vector_load %arg7[%get3A_640, %get3A_641, %get3A_642, %get3A_643] {strides = array<i32>} : memref<25x1x8x128xi32, #tpu.memory_space<vmem>>, vector<16xi32>,
      %gather3A_645 = tpu.vector_load_idx %arg6[%get3A_644] : memref<102400xf32, #tpu.memory_space<vmem>>[vector<16xi32>], vector<16xf32>,
      %add3A_646 = arith.addf %add3A_574, %gather3A_645 : vector<16xf32>
      %get3A_647 = arith.constant 0 : i32
      %get3A_648 = arith.constant 7 : i32
      %get3A_649 = arith.index_cast %scan3A_100 : i32 to index
      %get3A_650 = arith.index_cast %get3A_647 : i32 to index
      %get3A_651 = arith.index_cast %get3A_648 : i32 to index
      %get3A_652 = arith.constant 64 : index
      %get3A_653 = tpu.vector_load %arg7[%get3A_649, %get3A_650, %get3A_651, %get3A_652] {strides = array<i32>} : memref<25x1x8x128xi32, #tpu.memory_space<vmem>>, vector<16xi32>,
      %gather3A_654 = tpu.vector_load_idx %arg6[%get3A_653] : memref<102400xf32, #tpu.memory_space<vmem>>[vector<16xi32>], vector<16xf32>,
      %add3A_655 = arith.addf %add3A_583, %gather3A_654 : vector<16xf32>
      %get3A_656 = arith.constant 0 : i32
      %get3A_657 = arith.constant 7 : i32
      %get3A_658 = arith.index_cast %scan3A_100 : i32 to index
      %get3A_659 = arith.index_cast %get3A_656 : i32 to index
      %get3A_660 = arith.index_cast %get3A_657 : i32 to index
      %get3A_661 = arith.constant 80 : index
      %get3A_662 = tpu.vector_load %arg7[%get3A_658, %get3A_659, %get3A_660, %get3A_661] {strides = array<i32>} : memref<25x1x8x128xi32, #tpu.memory_space<vmem>>, vector<16xi32>,
      %gather3A_663 = tpu.vector_load_idx %arg6[%get3A_662] : memref<102400xf32, #tpu.memory_space<vmem>>[vector<16xi32>], vector<16xf32>,
      %add3A_664 = arith.addf %add3A_592, %gather3A_663 : vector<16xf32>
      %get3A_665 = arith.constant 0 : i32
      %get3A_666 = arith.constant 7 : i32
      %get3A_667 = arith.index_cast %scan3A_100 : i32 to index
      %get3A_668 = arith.index_cast %get3A_665 : i32 to index
      %get3A_669 = arith.index_cast %get3A_666 : i32 to index
      %get3A_670 = arith.constant 96 : index
      %get3A_671 = tpu.vector_load %arg7[%get3A_667, %get3A_668, %get3A_669, %get3A_670] {strides = array<i32>} : memref<25x1x8x128xi32, #tpu.memory_space<vmem>>, vector<16xi32>,
      %gather3A_672 = tpu.vector_load_idx %arg6[%get3A_671] : memref<102400xf32, #tpu.memory_space<vmem>>[vector<16xi32>], vector<16xf32>,
      %add3A_673 = arith.addf %add3A_601, %gather3A_672 : vector<16xf32>
      %get3A_674 = arith.constant 0 : i32
      %get3A_675 = arith.constant 7 : i32
      %get3A_676 = arith.index_cast %scan3A_100 : i32 to index
      %get3A_677 = arith.index_cast %get3A_674 : i32 to index
      %get3A_678 = arith.index_cast %get3A_675 : i32 to index
      %get3A_679 = arith.constant 112 : index
      %get3A_680 = tpu.vector_load %arg7[%get3A_676, %get3A_677, %get3A_678, %get3A_679] {strides = array<i32>} : memref<25x1x8x128xi32, #tpu.memory_space<vmem>>, vector<16xi32>,
      %gather3A_681 = tpu.vector_load_idx %arg6[%get3A_680] : memref<102400xf32, #tpu.memory_space<vmem>>[vector<16xi32>], vector<16xf32>,
      %add3A_682 = arith.addf %add3A_610, %gather3A_681 : vector<16xf32>
      scf.yield %add3A_619, %add3A_628, %add3A_637, %add3A_646, %add3A_655, %add3A_664, %add3A_673, %add3A_682 : vector<16xf32>, vector<16xf32>, vector<16xf32>, vector<16xf32>, vector<16xf32>, vector<16xf32>, vector<16xf32>, vector<16xf32>
    }
    %scan3A_41 = arith.constant 25 : i32
    %swap3A = arith.constant 0 : index
    %swap3A_42 = tpu.vector_load %arg8[%swap3A] {strides = array<i32>} : memref<256xf32, #tpu.memory_space<vmem>>, vector<16xf32>,
    tpu.vector_store %arg8[%swap3A], %scan3A_40#0 {strides = array<i32>} : memref<256xf32, #tpu.memory_space<vmem>>, vector<16xf32>,
    %swap3A_43 = arith.constant 16 : index
    %swap3A_44 = tpu.vector_load %arg8[%swap3A_43] {strides = array<i32>} : memref<256xf32, #tpu.memory_space<vmem>>, vector<16xf32>,
    tpu.vector_store %arg8[%swap3A_43], %scan3A_40#1 {strides = array<i32>} : memref<256xf32, #tpu.memory_space<vmem>>, vector<16xf32>,
    %swap3A_45 = arith.constant 32 : index
    %swap3A_46 = tpu.vector_load %arg8[%swap3A_45] {strides = array<i32>} : memref<256xf32, #tpu.memory_space<vmem>>, vector<16xf32>,
    tpu.vector_store %arg8[%swap3A_45], %scan3A_40#2 {strides = array<i32>} : memref<256xf32, #tpu.memory_space<vmem>>, vector<16xf32>,
    %swap3A_47 = arith.constant 48 : index
    %swap3A_48 = tpu.vector_load %arg8[%swap3A_47] {strides = array<i32>} : memref<256xf32, #tpu.memory_space<vmem>>, vector<16xf32>,
    tpu.vector_store %arg8[%swap3A_47], %scan3A_40#3 {strides = array<i32>} : memref<256xf32, #tpu.memory_space<vmem>>, vector<16xf32>,
    %swap3A_49 = arith.constant 64 : index
    %swap3A_50 = tpu.vector_load %arg8[%swap3A_49] {strides = array<i32>} : memref<256xf32, #tpu.memory_space<vmem>>, vector<16xf32>,
    tpu.vector_store %arg8[%swap3A_49], %scan3A_40#4 {strides = array<i32>} : memref<256xf32, #tpu.memory_space<vmem>>, vector<16xf32>,
    %swap3A_51 = arith.constant 80 : index
    %swap3A_52 = tpu.vector_load %arg8[%swap3A_51] {strides = array<i32>} : memref<256xf32, #tpu.memory_space<vmem>>, vector<16xf32>,
    tpu.vector_store %arg8[%swap3A_51], %scan3A_40#5 {strides = array<i32>} : memref<256xf32, #tpu.memory_space<vmem>>, vector<16xf32>,
    %swap3A_53 = arith.constant 96 : index
    %swap3A_54 = tpu.vector_load %arg8[%swap3A_53] {strides = array<i32>} : memref<256xf32, #tpu.memory_space<vmem>>, vector<16xf32>,
    tpu.vector_store %arg8[%swap3A_53], %scan3A_40#6 {strides = array<i32>} : memref<256xf32, #tpu.memory_space<vmem>>, vector<16xf32>,
    %swap3A_55 = arith.constant 112 : index
    %swap3A_56 = tpu.vector_load %arg8[%swap3A_55] {strides = array<i32>} : memref<256xf32, #tpu.memory_space<vmem>>, vector<16xf32>,
    tpu.vector_store %arg8[%swap3A_55], %scan3A_40#7 {strides = array<i32>} : memref<256xf32, #tpu.memory_space<vmem>>, vector<16xf32>,
    %mul3A_57 = arith.constant 2 : i32
    %mul3A_58 = arith.muli %mul3A_57, %arg1 : i32
    %add3A = arith.constant 1 : i32
    %add3A_59 = arith.addi %mul3A_58, %add3A : i32
    "tpu.region"() ({
      %run_scoped3A = tpu.sem_alloc : memref<!tpu.dma_semaphore, #tpu.memory_space<semaphore_mem>>
      %dma_start3A_100 = arith.constant 0 : i32
      %dma_start3A_101 = arith.constant 0 : i32
      %dma_start3A_102 = arith.constant 0 : i32
      %dma_start3A_103 = tpu.memref_slice %arg4[%dma_start3A_100, %add3A_59, %dma_start3A_101, %dma_start3A_102] : memref<25x32x8x128xi32, #tpu.memory_space<hbm>> -> memref<25x1x8x128xi32, #tpu.memory_space<hbm>>
      %dma_start3A_104 = arith.constant 0 : i32
      %dma_start3A_105 = arith.constant 0 : i32
      %dma_start3A_106 = arith.constant 0 : i32
      %dma_start3A_107 = tpu.memref_slice %arg4[%dma_start3A_104, %add3A_59, %dma_start3A_105, %dma_start3A_106] : memref<25x32x8x128xi32, #tpu.memory_space<hbm>> -> memref<25x1x8x128xi32, #tpu.memory_space<hbm>>
      tpu.enqueue_dma source(%dma_start3A_107 : memref<25x1x8x128xi32, #tpu.memory_space<hbm>>) target(%arg7 : memref<25x1x8x128xi32, #tpu.memory_space<vmem>>) target_semaphore(%run_scoped3A : memref<!tpu.dma_semaphore, #tpu.memory_space<semaphore_mem>>)
      %dma_wait3A_108 = arith.constant 0 : i32
      %dma_wait3A_109 = arith.constant 0 : i32
      %dma_wait3A_110 = arith.constant 0 : i32
      %dma_wait3A_111 = tpu.memref_slice %arg4[%dma_wait3A_108, %add3A_59, %dma_wait3A_109, %dma_wait3A_110] : memref<25x32x8x128xi32, #tpu.memory_space<hbm>> -> memref<25x1x8x128xi32, #tpu.memory_space<hbm>>
      %dma_wait3A_112 = arith.constant 0 : i32
      %dma_wait3A_113 = arith.constant 0 : i32
      %dma_wait3A_114 = arith.constant 0 : i32
      %dma_wait3A_115 = tpu.memref_slice %arg4[%dma_wait3A_112, %add3A_59, %dma_wait3A_113, %dma_wait3A_114] : memref<25x32x8x128xi32, #tpu.memory_space<hbm>> -> memref<25x1x8x128xi32, #tpu.memory_space<hbm>>
      tpu.wait_dma2 semaphore(%run_scoped3A : memref<!tpu.dma_semaphore, #tpu.memory_space<semaphore_mem>>) src(%dma_wait3A_115 : memref<25x1x8x128xi32, #tpu.memory_space<hbm>>) dst(%arg7 : memref<25x1x8x128xi32, #tpu.memory_space<vmem>>)
      tpu.yield
    }) : () -> ()
    %broadcast_in_dim3A_60 = arith.constant 0.000000e+00 : f32
    %broadcast_in_dim3A_61 = vector.broadcast %broadcast_in_dim3A_60 : f32 to vector<16xf32>
    %broadcast_in_dim3A_62 = arith.constant 0.000000e+00 : f32
    %broadcast_in_dim3A_63 = vector.broadcast %broadcast_in_dim3A_62 : f32 to vector<16xf32>
    %broadcast_in_dim3A_64 = arith.constant 0.000000e+00 : f32
    %broadcast_in_dim3A_65 = vector.broadcast %broadcast_in_dim3A_64 : f32 to vector<16xf32>
    %broadcast_in_dim3A_66 = arith.constant 0.000000e+00 : f32
    %broadcast_in_dim3A_67 = vector.broadcast %broadcast_in_dim3A_66 : f32 to vector<16xf32>
    %broadcast_in_dim3A_68 = arith.constant 0.000000e+00 : f32
    %broadcast_in_dim3A_69 = vector.broadcast %broadcast_in_dim3A_68 : f32 to vector<16xf32>
    %broadcast_in_dim3A_70 = arith.constant 0.000000e+00 : f32
    %broadcast_in_dim3A_71 = vector.broadcast %broadcast_in_dim3A_70 : f32 to vector<16xf32>
    %broadcast_in_dim3A_72 = arith.constant 0.000000e+00 : f32
    %broadcast_in_dim3A_73 = vector.broadcast %broadcast_in_dim3A_72 : f32 to vector<16xf32>
    %broadcast_in_dim3A_74 = arith.constant 0.000000e+00 : f32
    %broadcast_in_dim3A_75 = vector.broadcast %broadcast_in_dim3A_74 : f32 to vector<16xf32>
    %scan3A_76 = arith.constant 0 : i32
    %scan3A_77 = arith.constant 25 : i32
    %scan3A_78 = arith.addi %scan3A_76, %scan3A_77 : i32
    %scan3A_79 = arith.constant 1 : i32
    %scan3A_80:8 = scf.for %scan3A_100 = %scan3A_76 to %scan3A_78 step %scan3A_79 iter_args(%scan3A_101 = %broadcast_in_dim3A_61, %scan3A_102 = %broadcast_in_dim3A_63, %scan3A_103 = %broadcast_in_dim3A_65, %scan3A_104 = %broadcast_in_dim3A_67, %scan3A_105 = %broadcast_in_dim3A_69, %scan3A_106 = %broadcast_in_dim3A_71, %scan3A_107 = %broadcast_in_dim3A_73, %scan3A_108 = %broadcast_in_dim3A_75) -> (vector<16xf32>, vector<16xf32>, vector<16xf32>, vector<16xf32>, vector<16xf32>, vector<16xf32>, vector<16xf32>, vector<16xf32>)  : i32 {
      %get3A = arith.constant 0 : i32
      %get3A_109 = arith.constant 0 : i32
      %get3A_110 = arith.index_cast %scan3A_100 : i32 to index
      %get3A_111 = arith.index_cast %get3A : i32 to index
      %get3A_112 = arith.index_cast %get3A_109 : i32 to index
      %get3A_113 = arith.constant 0 : index
      %get3A_114 = tpu.vector_load %arg7[%get3A_110, %get3A_111, %get3A_112, %get3A_113] {strides = array<i32>} : memref<25x1x8x128xi32, #tpu.memory_space<vmem>>, vector<16xi32>,
      %gather3A = tpu.vector_load_idx %arg6[%get3A_114] : memref<102400xf32, #tpu.memory_space<vmem>>[vector<16xi32>], vector<16xf32>,
      %add3A_115 = arith.addf %scan3A_101, %gather3A : vector<16xf32>
      %get3A_116 = arith.constant 0 : i32
      %get3A_117 = arith.constant 0 : i32
      %get3A_118 = arith.index_cast %scan3A_100 : i32 to index
      %get3A_119 = arith.index_cast %get3A_116 : i32 to index
      %get3A_120 = arith.index_cast %get3A_117 : i32 to index
      %get3A_121 = arith.constant 16 : index
      %get3A_122 = tpu.vector_load %arg7[%get3A_118, %get3A_119, %get3A_120, %get3A_121] {strides = array<i32>} : memref<25x1x8x128xi32, #tpu.memory_space<vmem>>, vector<16xi32>,
      %gather3A_123 = tpu.vector_load_idx %arg6[%get3A_122] : memref<102400xf32, #tpu.memory_space<vmem>>[vector<16xi32>], vector<16xf32>,
      %add3A_124 = arith.addf %scan3A_102, %gather3A_123 : vector<16xf32>
      %get3A_125 = arith.constant 0 : i32
      %get3A_126 = arith.constant 0 : i32
      %get3A_127 = arith.index_cast %scan3A_100 : i32 to index
      %get3A_128 = arith.index_cast %get3A_125 : i32 to index
      %get3A_129 = arith.index_cast %get3A_126 : i32 to index
      %get3A_130 = arith.constant 32 : index
      %get3A_131 = tpu.vector_load %arg7[%get3A_127, %get3A_128, %get3A_129, %get3A_130] {strides = array<i32>} : memref<25x1x8x128xi32, #tpu.memory_space<vmem>>, vector<16xi32>,
      %gather3A_132 = tpu.vector_load_idx %arg6[%get3A_131] : memref<102400xf32, #tpu.memory_space<vmem>>[vector<16xi32>], vector<16xf32>,
      %add3A_133 = arith.addf %scan3A_103, %gather3A_132 : vector<16xf32>
      %get3A_134 = arith.constant 0 : i32
      %get3A_135 = arith.constant 0 : i32
      %get3A_136 = arith.index_cast %scan3A_100 : i32 to index
      %get3A_137 = arith.index_cast %get3A_134 : i32 to index
      %get3A_138 = arith.index_cast %get3A_135 : i32 to index
      %get3A_139 = arith.constant 48 : index
      %get3A_140 = tpu.vector_load %arg7[%get3A_136, %get3A_137, %get3A_138, %get3A_139] {strides = array<i32>} : memref<25x1x8x128xi32, #tpu.memory_space<vmem>>, vector<16xi32>,
      %gather3A_141 = tpu.vector_load_idx %arg6[%get3A_140] : memref<102400xf32, #tpu.memory_space<vmem>>[vector<16xi32>], vector<16xf32>,
      %add3A_142 = arith.addf %scan3A_104, %gather3A_141 : vector<16xf32>
      %get3A_143 = arith.constant 0 : i32
      %get3A_144 = arith.constant 0 : i32
      %get3A_145 = arith.index_cast %scan3A_100 : i32 to index
      %get3A_146 = arith.index_cast %get3A_143 : i32 to index
      %get3A_147 = arith.index_cast %get3A_144 : i32 to index
      %get3A_148 = arith.constant 64 : index
      %get3A_149 = tpu.vector_load %arg7[%get3A_145, %get3A_146, %get3A_147, %get3A_148] {strides = array<i32>} : memref<25x1x8x128xi32, #tpu.memory_space<vmem>>, vector<16xi32>,
      %gather3A_150 = tpu.vector_load_idx %arg6[%get3A_149] : memref<102400xf32, #tpu.memory_space<vmem>>[vector<16xi32>], vector<16xf32>,
      %add3A_151 = arith.addf %scan3A_105, %gather3A_150 : vector<16xf32>
      %get3A_152 = arith.constant 0 : i32
      %get3A_153 = arith.constant 0 : i32
      %get3A_154 = arith.index_cast %scan3A_100 : i32 to index
      %get3A_155 = arith.index_cast %get3A_152 : i32 to index
      %get3A_156 = arith.index_cast %get3A_153 : i32 to index
      %get3A_157 = arith.constant 80 : index
      %get3A_158 = tpu.vector_load %arg7[%get3A_154, %get3A_155, %get3A_156, %get3A_157] {strides = array<i32>} : memref<25x1x8x128xi32, #tpu.memory_space<vmem>>, vector<16xi32>,
      %gather3A_159 = tpu.vector_load_idx %arg6[%get3A_158] : memref<102400xf32, #tpu.memory_space<vmem>>[vector<16xi32>], vector<16xf32>,
      %add3A_160 = arith.addf %scan3A_106, %gather3A_159 : vector<16xf32>
      %get3A_161 = arith.constant 0 : i32
      %get3A_162 = arith.constant 0 : i32
      %get3A_163 = arith.index_cast %scan3A_100 : i32 to index
      %get3A_164 = arith.index_cast %get3A_161 : i32 to index
      %get3A_165 = arith.index_cast %get3A_162 : i32 to index
      %get3A_166 = arith.constant 96 : index
      %get3A_167 = tpu.vector_load %arg7[%get3A_163, %get3A_164, %get3A_165, %get3A_166] {strides = array<i32>} : memref<25x1x8x128xi32, #tpu.memory_space<vmem>>, vector<16xi32>,
      %gather3A_168 = tpu.vector_load_idx %arg6[%get3A_167] : memref<102400xf32, #tpu.memory_space<vmem>>[vector<16xi32>], vector<16xf32>,
      %add3A_169 = arith.addf %scan3A_107, %gather3A_168 : vector<16xf32>
      %get3A_170 = arith.constant 0 : i32
      %get3A_171 = arith.constant 0 : i32
      %get3A_172 = arith.index_cast %scan3A_100 : i32 to index
      %get3A_173 = arith.index_cast %get3A_170 : i32 to index
      %get3A_174 = arith.index_cast %get3A_171 : i32 to index
      %get3A_175 = arith.constant 112 : index
      %get3A_176 = tpu.vector_load %arg7[%get3A_172, %get3A_173, %get3A_174, %get3A_175] {strides = array<i32>} : memref<25x1x8x128xi32, #tpu.memory_space<vmem>>, vector<16xi32>,
      %gather3A_177 = tpu.vector_load_idx %arg6[%get3A_176] : memref<102400xf32, #tpu.memory_space<vmem>>[vector<16xi32>], vector<16xf32>,
      %add3A_178 = arith.addf %scan3A_108, %gather3A_177 : vector<16xf32>
      %get3A_179 = arith.constant 0 : i32
      %get3A_180 = arith.constant 1 : i32
      %get3A_181 = arith.index_cast %scan3A_100 : i32 to index
      %get3A_182 = arith.index_cast %get3A_179 : i32 to index
      %get3A_183 = arith.index_cast %get3A_180 : i32 to index
      %get3A_184 = arith.constant 0 : index
      %get3A_185 = tpu.vector_load %arg7[%get3A_181, %get3A_182, %get3A_183, %get3A_184] {strides = array<i32>} : memref<25x1x8x128xi32, #tpu.memory_space<vmem>>, vector<16xi32>,
      %gather3A_186 = tpu.vector_load_idx %arg6[%get3A_185] : memref<102400xf32, #tpu.memory_space<vmem>>[vector<16xi32>], vector<16xf32>,
      %add3A_187 = arith.addf %add3A_115, %gather3A_186 : vector<16xf32>
      %get3A_188 = arith.constant 0 : i32
      %get3A_189 = arith.constant 1 : i32
      %get3A_190 = arith.index_cast %scan3A_100 : i32 to index
      %get3A_191 = arith.index_cast %get3A_188 : i32 to index
      %get3A_192 = arith.index_cast %get3A_189 : i32 to index
      %get3A_193 = arith.constant 16 : index
      %get3A_194 = tpu.vector_load %arg7[%get3A_190, %get3A_191, %get3A_192, %get3A_193] {strides = array<i32>} : memref<25x1x8x128xi32, #tpu.memory_space<vmem>>, vector<16xi32>,
      %gather3A_195 = tpu.vector_load_idx %arg6[%get3A_194] : memref<102400xf32, #tpu.memory_space<vmem>>[vector<16xi32>], vector<16xf32>,
      %add3A_196 = arith.addf %add3A_124, %gather3A_195 : vector<16xf32>
      %get3A_197 = arith.constant 0 : i32
      %get3A_198 = arith.constant 1 : i32
      %get3A_199 = arith.index_cast %scan3A_100 : i32 to index
      %get3A_200 = arith.index_cast %get3A_197 : i32 to index
      %get3A_201 = arith.index_cast %get3A_198 : i32 to index
      %get3A_202 = arith.constant 32 : index
      %get3A_203 = tpu.vector_load %arg7[%get3A_199, %get3A_200, %get3A_201, %get3A_202] {strides = array<i32>} : memref<25x1x8x128xi32, #tpu.memory_space<vmem>>, vector<16xi32>,
      %gather3A_204 = tpu.vector_load_idx %arg6[%get3A_203] : memref<102400xf32, #tpu.memory_space<vmem>>[vector<16xi32>], vector<16xf32>,
      %add3A_205 = arith.addf %add3A_133, %gather3A_204 : vector<16xf32>
      %get3A_206 = arith.constant 0 : i32
      %get3A_207 = arith.constant 1 : i32
      %get3A_208 = arith.index_cast %scan3A_100 : i32 to index
      %get3A_209 = arith.index_cast %get3A_206 : i32 to index
      %get3A_210 = arith.index_cast %get3A_207 : i32 to index
      %get3A_211 = arith.constant 48 : index
      %get3A_212 = tpu.vector_load %arg7[%get3A_208, %get3A_209, %get3A_210, %get3A_211] {strides = array<i32>} : memref<25x1x8x128xi32, #tpu.memory_space<vmem>>, vector<16xi32>,
      %gather3A_213 = tpu.vector_load_idx %arg6[%get3A_212] : memref<102400xf32, #tpu.memory_space<vmem>>[vector<16xi32>], vector<16xf32>,
      %add3A_214 = arith.addf %add3A_142, %gather3A_213 : vector<16xf32>
      %get3A_215 = arith.constant 0 : i32
      %get3A_216 = arith.constant 1 : i32
      %get3A_217 = arith.index_cast %scan3A_100 : i32 to index
      %get3A_218 = arith.index_cast %get3A_215 : i32 to index
      %get3A_219 = arith.index_cast %get3A_216 : i32 to index
      %get3A_220 = arith.constant 64 : index
      %get3A_221 = tpu.vector_load %arg7[%get3A_217, %get3A_218, %get3A_219, %get3A_220] {strides = array<i32>} : memref<25x1x8x128xi32, #tpu.memory_space<vmem>>, vector<16xi32>,
      %gather3A_222 = tpu.vector_load_idx %arg6[%get3A_221] : memref<102400xf32, #tpu.memory_space<vmem>>[vector<16xi32>], vector<16xf32>,
      %add3A_223 = arith.addf %add3A_151, %gather3A_222 : vector<16xf32>
      %get3A_224 = arith.constant 0 : i32
      %get3A_225 = arith.constant 1 : i32
      %get3A_226 = arith.index_cast %scan3A_100 : i32 to index
      %get3A_227 = arith.index_cast %get3A_224 : i32 to index
      %get3A_228 = arith.index_cast %get3A_225 : i32 to index
      %get3A_229 = arith.constant 80 : index
      %get3A_230 = tpu.vector_load %arg7[%get3A_226, %get3A_227, %get3A_228, %get3A_229] {strides = array<i32>} : memref<25x1x8x128xi32, #tpu.memory_space<vmem>>, vector<16xi32>,
      %gather3A_231 = tpu.vector_load_idx %arg6[%get3A_230] : memref<102400xf32, #tpu.memory_space<vmem>>[vector<16xi32>], vector<16xf32>,
      %add3A_232 = arith.addf %add3A_160, %gather3A_231 : vector<16xf32>
      %get3A_233 = arith.constant 0 : i32
      %get3A_234 = arith.constant 1 : i32
      %get3A_235 = arith.index_cast %scan3A_100 : i32 to index
      %get3A_236 = arith.index_cast %get3A_233 : i32 to index
      %get3A_237 = arith.index_cast %get3A_234 : i32 to index
      %get3A_238 = arith.constant 96 : index
      %get3A_239 = tpu.vector_load %arg7[%get3A_235, %get3A_236, %get3A_237, %get3A_238] {strides = array<i32>} : memref<25x1x8x128xi32, #tpu.memory_space<vmem>>, vector<16xi32>,
      %gather3A_240 = tpu.vector_load_idx %arg6[%get3A_239] : memref<102400xf32, #tpu.memory_space<vmem>>[vector<16xi32>], vector<16xf32>,
      %add3A_241 = arith.addf %add3A_169, %gather3A_240 : vector<16xf32>
      %get3A_242 = arith.constant 0 : i32
      %get3A_243 = arith.constant 1 : i32
      %get3A_244 = arith.index_cast %scan3A_100 : i32 to index
      %get3A_245 = arith.index_cast %get3A_242 : i32 to index
      %get3A_246 = arith.index_cast %get3A_243 : i32 to index
      %get3A_247 = arith.constant 112 : index
      %get3A_248 = tpu.vector_load %arg7[%get3A_244, %get3A_245, %get3A_246, %get3A_247] {strides = array<i32>} : memref<25x1x8x128xi32, #tpu.memory_space<vmem>>, vector<16xi32>,
      %gather3A_249 = tpu.vector_load_idx %arg6[%get3A_248] : memref<102400xf32, #tpu.memory_space<vmem>>[vector<16xi32>], vector<16xf32>,
      %add3A_250 = arith.addf %add3A_178, %gather3A_249 : vector<16xf32>
      %get3A_251 = arith.constant 0 : i32
      %get3A_252 = arith.constant 2 : i32
      %get3A_253 = arith.index_cast %scan3A_100 : i32 to index
      %get3A_254 = arith.index_cast %get3A_251 : i32 to index
      %get3A_255 = arith.index_cast %get3A_252 : i32 to index
      %get3A_256 = arith.constant 0 : index
      %get3A_257 = tpu.vector_load %arg7[%get3A_253, %get3A_254, %get3A_255, %get3A_256] {strides = array<i32>} : memref<25x1x8x128xi32, #tpu.memory_space<vmem>>, vector<16xi32>,
      %gather3A_258 = tpu.vector_load_idx %arg6[%get3A_257] : memref<102400xf32, #tpu.memory_space<vmem>>[vector<16xi32>], vector<16xf32>,
      %add3A_259 = arith.addf %add3A_187, %gather3A_258 : vector<16xf32>
      %get3A_260 = arith.constant 0 : i32
      %get3A_261 = arith.constant 2 : i32
      %get3A_262 = arith.index_cast %scan3A_100 : i32 to index
      %get3A_263 = arith.index_cast %get3A_260 : i32 to index
      %get3A_264 = arith.index_cast %get3A_261 : i32 to index
      %get3A_265 = arith.constant 16 : index
      %get3A_266 = tpu.vector_load %arg7[%get3A_262, %get3A_263, %get3A_264, %get3A_265] {strides = array<i32>} : memref<25x1x8x128xi32, #tpu.memory_space<vmem>>, vector<16xi32>,
      %gather3A_267 = tpu.vector_load_idx %arg6[%get3A_266] : memref<102400xf32, #tpu.memory_space<vmem>>[vector<16xi32>], vector<16xf32>,
      %add3A_268 = arith.addf %add3A_196, %gather3A_267 : vector<16xf32>
      %get3A_269 = arith.constant 0 : i32
      %get3A_270 = arith.constant 2 : i32
      %get3A_271 = arith.index_cast %scan3A_100 : i32 to index
      %get3A_272 = arith.index_cast %get3A_269 : i32 to index
      %get3A_273 = arith.index_cast %get3A_270 : i32 to index
      %get3A_274 = arith.constant 32 : index
      %get3A_275 = tpu.vector_load %arg7[%get3A_271, %get3A_272, %get3A_273, %get3A_274] {strides = array<i32>} : memref<25x1x8x128xi32, #tpu.memory_space<vmem>>, vector<16xi32>,
      %gather3A_276 = tpu.vector_load_idx %arg6[%get3A_275] : memref<102400xf32, #tpu.memory_space<vmem>>[vector<16xi32>], vector<16xf32>,
      %add3A_277 = arith.addf %add3A_205, %gather3A_276 : vector<16xf32>
      %get3A_278 = arith.constant 0 : i32
      %get3A_279 = arith.constant 2 : i32
      %get3A_280 = arith.index_cast %scan3A_100 : i32 to index
      %get3A_281 = arith.index_cast %get3A_278 : i32 to index
      %get3A_282 = arith.index_cast %get3A_279 : i32 to index
      %get3A_283 = arith.constant 48 : index
      %get3A_284 = tpu.vector_load %arg7[%get3A_280, %get3A_281, %get3A_282, %get3A_283] {strides = array<i32>} : memref<25x1x8x128xi32, #tpu.memory_space<vmem>>, vector<16xi32>,
      %gather3A_285 = tpu.vector_load_idx %arg6[%get3A_284] : memref<102400xf32, #tpu.memory_space<vmem>>[vector<16xi32>], vector<16xf32>,
      %add3A_286 = arith.addf %add3A_214, %gather3A_285 : vector<16xf32>
      %get3A_287 = arith.constant 0 : i32
      %get3A_288 = arith.constant 2 : i32
      %get3A_289 = arith.index_cast %scan3A_100 : i32 to index
      %get3A_290 = arith.index_cast %get3A_287 : i32 to index
      %get3A_291 = arith.index_cast %get3A_288 : i32 to index
      %get3A_292 = arith.constant 64 : index
      %get3A_293 = tpu.vector_load %arg7[%get3A_289, %get3A_290, %get3A_291, %get3A_292] {strides = array<i32>} : memref<25x1x8x128xi32, #tpu.memory_space<vmem>>, vector<16xi32>,
      %gather3A_294 = tpu.vector_load_idx %arg6[%get3A_293] : memref<102400xf32, #tpu.memory_space<vmem>>[vector<16xi32>], vector<16xf32>,
      %add3A_295 = arith.addf %add3A_223, %gather3A_294 : vector<16xf32>
      %get3A_296 = arith.constant 0 : i32
      %get3A_297 = arith.constant 2 : i32
      %get3A_298 = arith.index_cast %scan3A_100 : i32 to index
      %get3A_299 = arith.index_cast %get3A_296 : i32 to index
      %get3A_300 = arith.index_cast %get3A_297 : i32 to index
      %get3A_301 = arith.constant 80 : index
      %get3A_302 = tpu.vector_load %arg7[%get3A_298, %get3A_299, %get3A_300, %get3A_301] {strides = array<i32>} : memref<25x1x8x128xi32, #tpu.memory_space<vmem>>, vector<16xi32>,
      %gather3A_303 = tpu.vector_load_idx %arg6[%get3A_302] : memref<102400xf32, #tpu.memory_space<vmem>>[vector<16xi32>], vector<16xf32>,
      %add3A_304 = arith.addf %add3A_232, %gather3A_303 : vector<16xf32>
      %get3A_305 = arith.constant 0 : i32
      %get3A_306 = arith.constant 2 : i32
      %get3A_307 = arith.index_cast %scan3A_100 : i32 to index
      %get3A_308 = arith.index_cast %get3A_305 : i32 to index
      %get3A_309 = arith.index_cast %get3A_306 : i32 to index
      %get3A_310 = arith.constant 96 : index
      %get3A_311 = tpu.vector_load %arg7[%get3A_307, %get3A_308, %get3A_309, %get3A_310] {strides = array<i32>} : memref<25x1x8x128xi32, #tpu.memory_space<vmem>>, vector<16xi32>,
      %gather3A_312 = tpu.vector_load_idx %arg6[%get3A_311] : memref<102400xf32, #tpu.memory_space<vmem>>[vector<16xi32>], vector<16xf32>,
      %add3A_313 = arith.addf %add3A_241, %gather3A_312 : vector<16xf32>
      %get3A_314 = arith.constant 0 : i32
      %get3A_315 = arith.constant 2 : i32
      %get3A_316 = arith.index_cast %scan3A_100 : i32 to index
      %get3A_317 = arith.index_cast %get3A_314 : i32 to index
      %get3A_318 = arith.index_cast %get3A_315 : i32 to index
      %get3A_319 = arith.constant 112 : index
      %get3A_320 = tpu.vector_load %arg7[%get3A_316, %get3A_317, %get3A_318, %get3A_319] {strides = array<i32>} : memref<25x1x8x128xi32, #tpu.memory_space<vmem>>, vector<16xi32>,
      %gather3A_321 = tpu.vector_load_idx %arg6[%get3A_320] : memref<102400xf32, #tpu.memory_space<vmem>>[vector<16xi32>], vector<16xf32>,
      %add3A_322 = arith.addf %add3A_250, %gather3A_321 : vector<16xf32>
      %get3A_323 = arith.constant 0 : i32
      %get3A_324 = arith.constant 3 : i32
      %get3A_325 = arith.index_cast %scan3A_100 : i32 to index
      %get3A_326 = arith.index_cast %get3A_323 : i32 to index
      %get3A_327 = arith.index_cast %get3A_324 : i32 to index
      %get3A_328 = arith.constant 0 : index
      %get3A_329 = tpu.vector_load %arg7[%get3A_325, %get3A_326, %get3A_327, %get3A_328] {strides = array<i32>} : memref<25x1x8x128xi32, #tpu.memory_space<vmem>>, vector<16xi32>,
      %gather3A_330 = tpu.vector_load_idx %arg6[%get3A_329] : memref<102400xf32, #tpu.memory_space<vmem>>[vector<16xi32>], vector<16xf32>,
      %add3A_331 = arith.addf %add3A_259, %gather3A_330 : vector<16xf32>
      %get3A_332 = arith.constant 0 : i32
      %get3A_333 = arith.constant 3 : i32
      %get3A_334 = arith.index_cast %scan3A_100 : i32 to index
      %get3A_335 = arith.index_cast %get3A_332 : i32 to index
      %get3A_336 = arith.index_cast %get3A_333 : i32 to index
      %get3A_337 = arith.constant 16 : index
      %get3A_338 = tpu.vector_load %arg7[%get3A_334, %get3A_335, %get3A_336, %get3A_337] {strides = array<i32>} : memref<25x1x8x128xi32, #tpu.memory_space<vmem>>, vector<16xi32>,
      %gather3A_339 = tpu.vector_load_idx %arg6[%get3A_338] : memref<102400xf32, #tpu.memory_space<vmem>>[vector<16xi32>], vector<16xf32>,
      %add3A_340 = arith.addf %add3A_268, %gather3A_339 : vector<16xf32>
      %get3A_341 = arith.constant 0 : i32
      %get3A_342 = arith.constant 3 : i32
      %get3A_343 = arith.index_cast %scan3A_100 : i32 to index
      %get3A_344 = arith.index_cast %get3A_341 : i32 to index
      %get3A_345 = arith.index_cast %get3A_342 : i32 to index
      %get3A_346 = arith.constant 32 : index
      %get3A_347 = tpu.vector_load %arg7[%get3A_343, %get3A_344, %get3A_345, %get3A_346] {strides = array<i32>} : memref<25x1x8x128xi32, #tpu.memory_space<vmem>>, vector<16xi32>,
      %gather3A_348 = tpu.vector_load_idx %arg6[%get3A_347] : memref<102400xf32, #tpu.memory_space<vmem>>[vector<16xi32>], vector<16xf32>,
      %add3A_349 = arith.addf %add3A_277, %gather3A_348 : vector<16xf32>
      %get3A_350 = arith.constant 0 : i32
      %get3A_351 = arith.constant 3 : i32
      %get3A_352 = arith.index_cast %scan3A_100 : i32 to index
      %get3A_353 = arith.index_cast %get3A_350 : i32 to index
      %get3A_354 = arith.index_cast %get3A_351 : i32 to index
      %get3A_355 = arith.constant 48 : index
      %get3A_356 = tpu.vector_load %arg7[%get3A_352, %get3A_353, %get3A_354, %get3A_355] {strides = array<i32>} : memref<25x1x8x128xi32, #tpu.memory_space<vmem>>, vector<16xi32>,
      %gather3A_357 = tpu.vector_load_idx %arg6[%get3A_356] : memref<102400xf32, #tpu.memory_space<vmem>>[vector<16xi32>], vector<16xf32>,
      %add3A_358 = arith.addf %add3A_286, %gather3A_357 : vector<16xf32>
      %get3A_359 = arith.constant 0 : i32
      %get3A_360 = arith.constant 3 : i32
      %get3A_361 = arith.index_cast %scan3A_100 : i32 to index
      %get3A_362 = arith.index_cast %get3A_359 : i32 to index
      %get3A_363 = arith.index_cast %get3A_360 : i32 to index
      %get3A_364 = arith.constant 64 : index
      %get3A_365 = tpu.vector_load %arg7[%get3A_361, %get3A_362, %get3A_363, %get3A_364] {strides = array<i32>} : memref<25x1x8x128xi32, #tpu.memory_space<vmem>>, vector<16xi32>,
      %gather3A_366 = tpu.vector_load_idx %arg6[%get3A_365] : memref<102400xf32, #tpu.memory_space<vmem>>[vector<16xi32>], vector<16xf32>,
      %add3A_367 = arith.addf %add3A_295, %gather3A_366 : vector<16xf32>
      %get3A_368 = arith.constant 0 : i32
      %get3A_369 = arith.constant 3 : i32
      %get3A_370 = arith.index_cast %scan3A_100 : i32 to index
      %get3A_371 = arith.index_cast %get3A_368 : i32 to index
      %get3A_372 = arith.index_cast %get3A_369 : i32 to index
      %get3A_373 = arith.constant 80 : index
      %get3A_374 = tpu.vector_load %arg7[%get3A_370, %get3A_371, %get3A_372, %get3A_373] {strides = array<i32>} : memref<25x1x8x128xi32, #tpu.memory_space<vmem>>, vector<16xi32>,
      %gather3A_375 = tpu.vector_load_idx %arg6[%get3A_374] : memref<102400xf32, #tpu.memory_space<vmem>>[vector<16xi32>], vector<16xf32>,
      %add3A_376 = arith.addf %add3A_304, %gather3A_375 : vector<16xf32>
      %get3A_377 = arith.constant 0 : i32
      %get3A_378 = arith.constant 3 : i32
      %get3A_379 = arith.index_cast %scan3A_100 : i32 to index
      %get3A_380 = arith.index_cast %get3A_377 : i32 to index
      %get3A_381 = arith.index_cast %get3A_378 : i32 to index
      %get3A_382 = arith.constant 96 : index
      %get3A_383 = tpu.vector_load %arg7[%get3A_379, %get3A_380, %get3A_381, %get3A_382] {strides = array<i32>} : memref<25x1x8x128xi32, #tpu.memory_space<vmem>>, vector<16xi32>,
      %gather3A_384 = tpu.vector_load_idx %arg6[%get3A_383] : memref<102400xf32, #tpu.memory_space<vmem>>[vector<16xi32>], vector<16xf32>,
      %add3A_385 = arith.addf %add3A_313, %gather3A_384 : vector<16xf32>
      %get3A_386 = arith.constant 0 : i32
      %get3A_387 = arith.constant 3 : i32
      %get3A_388 = arith.index_cast %scan3A_100 : i32 to index
      %get3A_389 = arith.index_cast %get3A_386 : i32 to index
      %get3A_390 = arith.index_cast %get3A_387 : i32 to index
      %get3A_391 = arith.constant 112 : index
      %get3A_392 = tpu.vector_load %arg7[%get3A_388, %get3A_389, %get3A_390, %get3A_391] {strides = array<i32>} : memref<25x1x8x128xi32, #tpu.memory_space<vmem>>, vector<16xi32>,
      %gather3A_393 = tpu.vector_load_idx %arg6[%get3A_392] : memref<102400xf32, #tpu.memory_space<vmem>>[vector<16xi32>], vector<16xf32>,
      %add3A_394 = arith.addf %add3A_322, %gather3A_393 : vector<16xf32>
      %get3A_395 = arith.constant 0 : i32
      %get3A_396 = arith.constant 4 : i32
      %get3A_397 = arith.index_cast %scan3A_100 : i32 to index
      %get3A_398 = arith.index_cast %get3A_395 : i32 to index
      %get3A_399 = arith.index_cast %get3A_396 : i32 to index
      %get3A_400 = arith.constant 0 : index
      %get3A_401 = tpu.vector_load %arg7[%get3A_397, %get3A_398, %get3A_399, %get3A_400] {strides = array<i32>} : memref<25x1x8x128xi32, #tpu.memory_space<vmem>>, vector<16xi32>,
      %gather3A_402 = tpu.vector_load_idx %arg6[%get3A_401] : memref<102400xf32, #tpu.memory_space<vmem>>[vector<16xi32>], vector<16xf32>,
      %add3A_403 = arith.addf %add3A_331, %gather3A_402 : vector<16xf32>
      %get3A_404 = arith.constant 0 : i32
      %get3A_405 = arith.constant 4 : i32
      %get3A_406 = arith.index_cast %scan3A_100 : i32 to index
      %get3A_407 = arith.index_cast %get3A_404 : i32 to index
      %get3A_408 = arith.index_cast %get3A_405 : i32 to index
      %get3A_409 = arith.constant 16 : index
      %get3A_410 = tpu.vector_load %arg7[%get3A_406, %get3A_407, %get3A_408, %get3A_409] {strides = array<i32>} : memref<25x1x8x128xi32, #tpu.memory_space<vmem>>, vector<16xi32>,
      %gather3A_411 = tpu.vector_load_idx %arg6[%get3A_410] : memref<102400xf32, #tpu.memory_space<vmem>>[vector<16xi32>], vector<16xf32>,
      %add3A_412 = arith.addf %add3A_340, %gather3A_411 : vector<16xf32>
      %get3A_413 = arith.constant 0 : i32
      %get3A_414 = arith.constant 4 : i32
      %get3A_415 = arith.index_cast %scan3A_100 : i32 to index
      %get3A_416 = arith.index_cast %get3A_413 : i32 to index
      %get3A_417 = arith.index_cast %get3A_414 : i32 to index
      %get3A_418 = arith.constant 32 : index
      %get3A_419 = tpu.vector_load %arg7[%get3A_415, %get3A_416, %get3A_417, %get3A_418] {strides = array<i32>} : memref<25x1x8x128xi32, #tpu.memory_space<vmem>>, vector<16xi32>,
      %gather3A_420 = tpu.vector_load_idx %arg6[%get3A_419] : memref<102400xf32, #tpu.memory_space<vmem>>[vector<16xi32>], vector<16xf32>,
      %add3A_421 = arith.addf %add3A_349, %gather3A_420 : vector<16xf32>
      %get3A_422 = arith.constant 0 : i32
      %get3A_423 = arith.constant 4 : i32
      %get3A_424 = arith.index_cast %scan3A_100 : i32 to index
      %get3A_425 = arith.index_cast %get3A_422 : i32 to index
      %get3A_426 = arith.index_cast %get3A_423 : i32 to index
      %get3A_427 = arith.constant 48 : index
      %get3A_428 = tpu.vector_load %arg7[%get3A_424, %get3A_425, %get3A_426, %get3A_427] {strides = array<i32>} : memref<25x1x8x128xi32, #tpu.memory_space<vmem>>, vector<16xi32>,
      %gather3A_429 = tpu.vector_load_idx %arg6[%get3A_428] : memref<102400xf32, #tpu.memory_space<vmem>>[vector<16xi32>], vector<16xf32>,
      %add3A_430 = arith.addf %add3A_358, %gather3A_429 : vector<16xf32>
      %get3A_431 = arith.constant 0 : i32
      %get3A_432 = arith.constant 4 : i32
      %get3A_433 = arith.index_cast %scan3A_100 : i32 to index
      %get3A_434 = arith.index_cast %get3A_431 : i32 to index
      %get3A_435 = arith.index_cast %get3A_432 : i32 to index
      %get3A_436 = arith.constant 64 : index
      %get3A_437 = tpu.vector_load %arg7[%get3A_433, %get3A_434, %get3A_435, %get3A_436] {strides = array<i32>} : memref<25x1x8x128xi32, #tpu.memory_space<vmem>>, vector<16xi32>,
      %gather3A_438 = tpu.vector_load_idx %arg6[%get3A_437] : memref<102400xf32, #tpu.memory_space<vmem>>[vector<16xi32>], vector<16xf32>,
      %add3A_439 = arith.addf %add3A_367, %gather3A_438 : vector<16xf32>
      %get3A_440 = arith.constant 0 : i32
      %get3A_441 = arith.constant 4 : i32
      %get3A_442 = arith.index_cast %scan3A_100 : i32 to index
      %get3A_443 = arith.index_cast %get3A_440 : i32 to index
      %get3A_444 = arith.index_cast %get3A_441 : i32 to index
      %get3A_445 = arith.constant 80 : index
      %get3A_446 = tpu.vector_load %arg7[%get3A_442, %get3A_443, %get3A_444, %get3A_445] {strides = array<i32>} : memref<25x1x8x128xi32, #tpu.memory_space<vmem>>, vector<16xi32>,
      %gather3A_447 = tpu.vector_load_idx %arg6[%get3A_446] : memref<102400xf32, #tpu.memory_space<vmem>>[vector<16xi32>], vector<16xf32>,
      %add3A_448 = arith.addf %add3A_376, %gather3A_447 : vector<16xf32>
      %get3A_449 = arith.constant 0 : i32
      %get3A_450 = arith.constant 4 : i32
      %get3A_451 = arith.index_cast %scan3A_100 : i32 to index
      %get3A_452 = arith.index_cast %get3A_449 : i32 to index
      %get3A_453 = arith.index_cast %get3A_450 : i32 to index
      %get3A_454 = arith.constant 96 : index
      %get3A_455 = tpu.vector_load %arg7[%get3A_451, %get3A_452, %get3A_453, %get3A_454] {strides = array<i32>} : memref<25x1x8x128xi32, #tpu.memory_space<vmem>>, vector<16xi32>,
      %gather3A_456 = tpu.vector_load_idx %arg6[%get3A_455] : memref<102400xf32, #tpu.memory_space<vmem>>[vector<16xi32>], vector<16xf32>,
      %add3A_457 = arith.addf %add3A_385, %gather3A_456 : vector<16xf32>
      %get3A_458 = arith.constant 0 : i32
      %get3A_459 = arith.constant 4 : i32
      %get3A_460 = arith.index_cast %scan3A_100 : i32 to index
      %get3A_461 = arith.index_cast %get3A_458 : i32 to index
      %get3A_462 = arith.index_cast %get3A_459 : i32 to index
      %get3A_463 = arith.constant 112 : index
      %get3A_464 = tpu.vector_load %arg7[%get3A_460, %get3A_461, %get3A_462, %get3A_463] {strides = array<i32>} : memref<25x1x8x128xi32, #tpu.memory_space<vmem>>, vector<16xi32>,
      %gather3A_465 = tpu.vector_load_idx %arg6[%get3A_464] : memref<102400xf32, #tpu.memory_space<vmem>>[vector<16xi32>], vector<16xf32>,
      %add3A_466 = arith.addf %add3A_394, %gather3A_465 : vector<16xf32>
      %get3A_467 = arith.constant 0 : i32
      %get3A_468 = arith.constant 5 : i32
      %get3A_469 = arith.index_cast %scan3A_100 : i32 to index
      %get3A_470 = arith.index_cast %get3A_467 : i32 to index
      %get3A_471 = arith.index_cast %get3A_468 : i32 to index
      %get3A_472 = arith.constant 0 : index
      %get3A_473 = tpu.vector_load %arg7[%get3A_469, %get3A_470, %get3A_471, %get3A_472] {strides = array<i32>} : memref<25x1x8x128xi32, #tpu.memory_space<vmem>>, vector<16xi32>,
      %gather3A_474 = tpu.vector_load_idx %arg6[%get3A_473] : memref<102400xf32, #tpu.memory_space<vmem>>[vector<16xi32>], vector<16xf32>,
      %add3A_475 = arith.addf %add3A_403, %gather3A_474 : vector<16xf32>
      %get3A_476 = arith.constant 0 : i32
      %get3A_477 = arith.constant 5 : i32
      %get3A_478 = arith.index_cast %scan3A_100 : i32 to index
      %get3A_479 = arith.index_cast %get3A_476 : i32 to index
      %get3A_480 = arith.index_cast %get3A_477 : i32 to index
      %get3A_481 = arith.constant 16 : index
      %get3A_482 = tpu.vector_load %arg7[%get3A_478, %get3A_479, %get3A_480, %get3A_481] {strides = array<i32>} : memref<25x1x8x128xi32, #tpu.memory_space<vmem>>, vector<16xi32>,
      %gather3A_483 = tpu.vector_load_idx %arg6[%get3A_482] : memref<102400xf32, #tpu.memory_space<vmem>>[vector<16xi32>], vector<16xf32>,
      %add3A_484 = arith.addf %add3A_412, %gather3A_483 : vector<16xf32>
      %get3A_485 = arith.constant 0 : i32
      %get3A_486 = arith.constant 5 : i32
      %get3A_487 = arith.index_cast %scan3A_100 : i32 to index
      %get3A_488 = arith.index_cast %get3A_485 : i32 to index
      %get3A_489 = arith.index_cast %get3A_486 : i32 to index
      %get3A_490 = arith.constant 32 : index
      %get3A_491 = tpu.vector_load %arg7[%get3A_487, %get3A_488, %get3A_489, %get3A_490] {strides = array<i32>} : memref<25x1x8x128xi32, #tpu.memory_space<vmem>>, vector<16xi32>,
      %gather3A_492 = tpu.vector_load_idx %arg6[%get3A_491] : memref<102400xf32, #tpu.memory_space<vmem>>[vector<16xi32>], vector<16xf32>,
      %add3A_493 = arith.addf %add3A_421, %gather3A_492 : vector<16xf32>
      %get3A_494 = arith.constant 0 : i32
      %get3A_495 = arith.constant 5 : i32
      %get3A_496 = arith.index_cast %scan3A_100 : i32 to index
      %get3A_497 = arith.index_cast %get3A_494 : i32 to index
      %get3A_498 = arith.index_cast %get3A_495 : i32 to index
      %get3A_499 = arith.constant 48 : index
      %get3A_500 = tpu.vector_load %arg7[%get3A_496, %get3A_497, %get3A_498, %get3A_499] {strides = array<i32>} : memref<25x1x8x128xi32, #tpu.memory_space<vmem>>, vector<16xi32>,
      %gather3A_501 = tpu.vector_load_idx %arg6[%get3A_500] : memref<102400xf32, #tpu.memory_space<vmem>>[vector<16xi32>], vector<16xf32>,
      %add3A_502 = arith.addf %add3A_430, %gather3A_501 : vector<16xf32>
      %get3A_503 = arith.constant 0 : i32
      %get3A_504 = arith.constant 5 : i32
      %get3A_505 = arith.index_cast %scan3A_100 : i32 to index
      %get3A_506 = arith.index_cast %get3A_503 : i32 to index
      %get3A_507 = arith.index_cast %get3A_504 : i32 to index
      %get3A_508 = arith.constant 64 : index
      %get3A_509 = tpu.vector_load %arg7[%get3A_505, %get3A_506, %get3A_507, %get3A_508] {strides = array<i32>} : memref<25x1x8x128xi32, #tpu.memory_space<vmem>>, vector<16xi32>,
      %gather3A_510 = tpu.vector_load_idx %arg6[%get3A_509] : memref<102400xf32, #tpu.memory_space<vmem>>[vector<16xi32>], vector<16xf32>,
      %add3A_511 = arith.addf %add3A_439, %gather3A_510 : vector<16xf32>
      %get3A_512 = arith.constant 0 : i32
      %get3A_513 = arith.constant 5 : i32
      %get3A_514 = arith.index_cast %scan3A_100 : i32 to index
      %get3A_515 = arith.index_cast %get3A_512 : i32 to index
      %get3A_516 = arith.index_cast %get3A_513 : i32 to index
      %get3A_517 = arith.constant 80 : index
      %get3A_518 = tpu.vector_load %arg7[%get3A_514, %get3A_515, %get3A_516, %get3A_517] {strides = array<i32>} : memref<25x1x8x128xi32, #tpu.memory_space<vmem>>, vector<16xi32>,
      %gather3A_519 = tpu.vector_load_idx %arg6[%get3A_518] : memref<102400xf32, #tpu.memory_space<vmem>>[vector<16xi32>], vector<16xf32>,
      %add3A_520 = arith.addf %add3A_448, %gather3A_519 : vector<16xf32>
      %get3A_521 = arith.constant 0 : i32
      %get3A_522 = arith.constant 5 : i32
      %get3A_523 = arith.index_cast %scan3A_100 : i32 to index
      %get3A_524 = arith.index_cast %get3A_521 : i32 to index
      %get3A_525 = arith.index_cast %get3A_522 : i32 to index
      %get3A_526 = arith.constant 96 : index
      %get3A_527 = tpu.vector_load %arg7[%get3A_523, %get3A_524, %get3A_525, %get3A_526] {strides = array<i32>} : memref<25x1x8x128xi32, #tpu.memory_space<vmem>>, vector<16xi32>,
      %gather3A_528 = tpu.vector_load_idx %arg6[%get3A_527] : memref<102400xf32, #tpu.memory_space<vmem>>[vector<16xi32>], vector<16xf32>,
      %add3A_529 = arith.addf %add3A_457, %gather3A_528 : vector<16xf32>
      %get3A_530 = arith.constant 0 : i32
      %get3A_531 = arith.constant 5 : i32
      %get3A_532 = arith.index_cast %scan3A_100 : i32 to index
      %get3A_533 = arith.index_cast %get3A_530 : i32 to index
      %get3A_534 = arith.index_cast %get3A_531 : i32 to index
      %get3A_535 = arith.constant 112 : index
      %get3A_536 = tpu.vector_load %arg7[%get3A_532, %get3A_533, %get3A_534, %get3A_535] {strides = array<i32>} : memref<25x1x8x128xi32, #tpu.memory_space<vmem>>, vector<16xi32>,
      %gather3A_537 = tpu.vector_load_idx %arg6[%get3A_536] : memref<102400xf32, #tpu.memory_space<vmem>>[vector<16xi32>], vector<16xf32>,
      %add3A_538 = arith.addf %add3A_466, %gather3A_537 : vector<16xf32>
      %get3A_539 = arith.constant 0 : i32
      %get3A_540 = arith.constant 6 : i32
      %get3A_541 = arith.index_cast %scan3A_100 : i32 to index
      %get3A_542 = arith.index_cast %get3A_539 : i32 to index
      %get3A_543 = arith.index_cast %get3A_540 : i32 to index
      %get3A_544 = arith.constant 0 : index
      %get3A_545 = tpu.vector_load %arg7[%get3A_541, %get3A_542, %get3A_543, %get3A_544] {strides = array<i32>} : memref<25x1x8x128xi32, #tpu.memory_space<vmem>>, vector<16xi32>,
      %gather3A_546 = tpu.vector_load_idx %arg6[%get3A_545] : memref<102400xf32, #tpu.memory_space<vmem>>[vector<16xi32>], vector<16xf32>,
      %add3A_547 = arith.addf %add3A_475, %gather3A_546 : vector<16xf32>
      %get3A_548 = arith.constant 0 : i32
      %get3A_549 = arith.constant 6 : i32
      %get3A_550 = arith.index_cast %scan3A_100 : i32 to index
      %get3A_551 = arith.index_cast %get3A_548 : i32 to index
      %get3A_552 = arith.index_cast %get3A_549 : i32 to index
      %get3A_553 = arith.constant 16 : index
      %get3A_554 = tpu.vector_load %arg7[%get3A_550, %get3A_551, %get3A_552, %get3A_553] {strides = array<i32>} : memref<25x1x8x128xi32, #tpu.memory_space<vmem>>, vector<16xi32>,
      %gather3A_555 = tpu.vector_load_idx %arg6[%get3A_554] : memref<102400xf32, #tpu.memory_space<vmem>>[vector<16xi32>], vector<16xf32>,
      %add3A_556 = arith.addf %add3A_484, %gather3A_555 : vector<16xf32>
      %get3A_557 = arith.constant 0 : i32
      %get3A_558 = arith.constant 6 : i32
      %get3A_559 = arith.index_cast %scan3A_100 : i32 to index
      %get3A_560 = arith.index_cast %get3A_557 : i32 to index
      %get3A_561 = arith.index_cast %get3A_558 : i32 to index
      %get3A_562 = arith.constant 32 : index
      %get3A_563 = tpu.vector_load %arg7[%get3A_559, %get3A_560, %get3A_561, %get3A_562] {strides = array<i32>} : memref<25x1x8x128xi32, #tpu.memory_space<vmem>>, vector<16xi32>,
      %gather3A_564 = tpu.vector_load_idx %arg6[%get3A_563] : memref<102400xf32, #tpu.memory_space<vmem>>[vector<16xi32>], vector<16xf32>,
      %add3A_565 = arith.addf %add3A_493, %gather3A_564 : vector<16xf32>
      %get3A_566 = arith.constant 0 : i32
      %get3A_567 = arith.constant 6 : i32
      %get3A_568 = arith.index_cast %scan3A_100 : i32 to index
      %get3A_569 = arith.index_cast %get3A_566 : i32 to index
      %get3A_570 = arith.index_cast %get3A_567 : i32 to index
      %get3A_571 = arith.constant 48 : index
      %get3A_572 = tpu.vector_load %arg7[%get3A_568, %get3A_569, %get3A_570, %get3A_571] {strides = array<i32>} : memref<25x1x8x128xi32, #tpu.memory_space<vmem>>, vector<16xi32>,
      %gather3A_573 = tpu.vector_load_idx %arg6[%get3A_572] : memref<102400xf32, #tpu.memory_space<vmem>>[vector<16xi32>], vector<16xf32>,
      %add3A_574 = arith.addf %add3A_502, %gather3A_573 : vector<16xf32>
      %get3A_575 = arith.constant 0 : i32
      %get3A_576 = arith.constant 6 : i32
      %get3A_577 = arith.index_cast %scan3A_100 : i32 to index
      %get3A_578 = arith.index_cast %get3A_575 : i32 to index
      %get3A_579 = arith.index_cast %get3A_576 : i32 to index
      %get3A_580 = arith.constant 64 : index
      %get3A_581 = tpu.vector_load %arg7[%get3A_577, %get3A_578, %get3A_579, %get3A_580] {strides = array<i32>} : memref<25x1x8x128xi32, #tpu.memory_space<vmem>>, vector<16xi32>,
      %gather3A_582 = tpu.vector_load_idx %arg6[%get3A_581] : memref<102400xf32, #tpu.memory_space<vmem>>[vector<16xi32>], vector<16xf32>,
      %add3A_583 = arith.addf %add3A_511, %gather3A_582 : vector<16xf32>
      %get3A_584 = arith.constant 0 : i32
      %get3A_585 = arith.constant 6 : i32
      %get3A_586 = arith.index_cast %scan3A_100 : i32 to index
      %get3A_587 = arith.index_cast %get3A_584 : i32 to index
      %get3A_588 = arith.index_cast %get3A_585 : i32 to index
      %get3A_589 = arith.constant 80 : index
      %get3A_590 = tpu.vector_load %arg7[%get3A_586, %get3A_587, %get3A_588, %get3A_589] {strides = array<i32>} : memref<25x1x8x128xi32, #tpu.memory_space<vmem>>, vector<16xi32>,
      %gather3A_591 = tpu.vector_load_idx %arg6[%get3A_590] : memref<102400xf32, #tpu.memory_space<vmem>>[vector<16xi32>], vector<16xf32>,
      %add3A_592 = arith.addf %add3A_520, %gather3A_591 : vector<16xf32>
      %get3A_593 = arith.constant 0 : i32
      %get3A_594 = arith.constant 6 : i32
      %get3A_595 = arith.index_cast %scan3A_100 : i32 to index
      %get3A_596 = arith.index_cast %get3A_593 : i32 to index
      %get3A_597 = arith.index_cast %get3A_594 : i32 to index
      %get3A_598 = arith.constant 96 : index
      %get3A_599 = tpu.vector_load %arg7[%get3A_595, %get3A_596, %get3A_597, %get3A_598] {strides = array<i32>} : memref<25x1x8x128xi32, #tpu.memory_space<vmem>>, vector<16xi32>,
      %gather3A_600 = tpu.vector_load_idx %arg6[%get3A_599] : memref<102400xf32, #tpu.memory_space<vmem>>[vector<16xi32>], vector<16xf32>,
      %add3A_601 = arith.addf %add3A_529, %gather3A_600 : vector<16xf32>
      %get3A_602 = arith.constant 0 : i32
      %get3A_603 = arith.constant 6 : i32
      %get3A_604 = arith.index_cast %scan3A_100 : i32 to index
      %get3A_605 = arith.index_cast %get3A_602 : i32 to index
      %get3A_606 = arith.index_cast %get3A_603 : i32 to index
      %get3A_607 = arith.constant 112 : index
      %get3A_608 = tpu.vector_load %arg7[%get3A_604, %get3A_605, %get3A_606, %get3A_607] {strides = array<i32>} : memref<25x1x8x128xi32, #tpu.memory_space<vmem>>, vector<16xi32>,
      %gather3A_609 = tpu.vector_load_idx %arg6[%get3A_608] : memref<102400xf32, #tpu.memory_space<vmem>>[vector<16xi32>], vector<16xf32>,
      %add3A_610 = arith.addf %add3A_538, %gather3A_609 : vector<16xf32>
      %get3A_611 = arith.constant 0 : i32
      %get3A_612 = arith.constant 7 : i32
      %get3A_613 = arith.index_cast %scan3A_100 : i32 to index
      %get3A_614 = arith.index_cast %get3A_611 : i32 to index
      %get3A_615 = arith.index_cast %get3A_612 : i32 to index
      %get3A_616 = arith.constant 0 : index
      %get3A_617 = tpu.vector_load %arg7[%get3A_613, %get3A_614, %get3A_615, %get3A_616] {strides = array<i32>} : memref<25x1x8x128xi32, #tpu.memory_space<vmem>>, vector<16xi32>,
      %gather3A_618 = tpu.vector_load_idx %arg6[%get3A_617] : memref<102400xf32, #tpu.memory_space<vmem>>[vector<16xi32>], vector<16xf32>,
      %add3A_619 = arith.addf %add3A_547, %gather3A_618 : vector<16xf32>
      %get3A_620 = arith.constant 0 : i32
      %get3A_621 = arith.constant 7 : i32
      %get3A_622 = arith.index_cast %scan3A_100 : i32 to index
      %get3A_623 = arith.index_cast %get3A_620 : i32 to index
      %get3A_624 = arith.index_cast %get3A_621 : i32 to index
      %get3A_625 = arith.constant 16 : index
      %get3A_626 = tpu.vector_load %arg7[%get3A_622, %get3A_623, %get3A_624, %get3A_625] {strides = array<i32>} : memref<25x1x8x128xi32, #tpu.memory_space<vmem>>, vector<16xi32>,
      %gather3A_627 = tpu.vector_load_idx %arg6[%get3A_626] : memref<102400xf32, #tpu.memory_space<vmem>>[vector<16xi32>], vector<16xf32>,
      %add3A_628 = arith.addf %add3A_556, %gather3A_627 : vector<16xf32>
      %get3A_629 = arith.constant 0 : i32
      %get3A_630 = arith.constant 7 : i32
      %get3A_631 = arith.index_cast %scan3A_100 : i32 to index
      %get3A_632 = arith.index_cast %get3A_629 : i32 to index
      %get3A_633 = arith.index_cast %get3A_630 : i32 to index
      %get3A_634 = arith.constant 32 : index
      %get3A_635 = tpu.vector_load %arg7[%get3A_631, %get3A_632, %get3A_633, %get3A_634] {strides = array<i32>} : memref<25x1x8x128xi32, #tpu.memory_space<vmem>>, vector<16xi32>,
      %gather3A_636 = tpu.vector_load_idx %arg6[%get3A_635] : memref<102400xf32, #tpu.memory_space<vmem>>[vector<16xi32>], vector<16xf32>,
      %add3A_637 = arith.addf %add3A_565, %gather3A_636 : vector<16xf32>
      %get3A_638 = arith.constant 0 : i32
      %get3A_639 = arith.constant 7 : i32
      %get3A_640 = arith.index_cast %scan3A_100 : i32 to index
      %get3A_641 = arith.index_cast %get3A_638 : i32 to index
      %get3A_642 = arith.index_cast %get3A_639 : i32 to index
      %get3A_643 = arith.constant 48 : index
      %get3A_644 = tpu.vector_load %arg7[%get3A_640, %get3A_641, %get3A_642, %get3A_643] {strides = array<i32>} : memref<25x1x8x128xi32, #tpu.memory_space<vmem>>, vector<16xi32>,
      %gather3A_645 = tpu.vector_load_idx %arg6[%get3A_644] : memref<102400xf32, #tpu.memory_space<vmem>>[vector<16xi32>], vector<16xf32>,
      %add3A_646 = arith.addf %add3A_574, %gather3A_645 : vector<16xf32>
      %get3A_647 = arith.constant 0 : i32
      %get3A_648 = arith.constant 7 : i32
      %get3A_649 = arith.index_cast %scan3A_100 : i32 to index
      %get3A_650 = arith.index_cast %get3A_647 : i32 to index
      %get3A_651 = arith.index_cast %get3A_648 : i32 to index
      %get3A_652 = arith.constant 64 : index
      %get3A_653 = tpu.vector_load %arg7[%get3A_649, %get3A_650, %get3A_651, %get3A_652] {strides = array<i32>} : memref<25x1x8x128xi32, #tpu.memory_space<vmem>>, vector<16xi32>,
      %gather3A_654 = tpu.vector_load_idx %arg6[%get3A_653] : memref<102400xf32, #tpu.memory_space<vmem>>[vector<16xi32>], vector<16xf32>,
      %add3A_655 = arith.addf %add3A_583, %gather3A_654 : vector<16xf32>
      %get3A_656 = arith.constant 0 : i32
      %get3A_657 = arith.constant 7 : i32
      %get3A_658 = arith.index_cast %scan3A_100 : i32 to index
      %get3A_659 = arith.index_cast %get3A_656 : i32 to index
      %get3A_660 = arith.index_cast %get3A_657 : i32 to index
      %get3A_661 = arith.constant 80 : index
      %get3A_662 = tpu.vector_load %arg7[%get3A_658, %get3A_659, %get3A_660, %get3A_661] {strides = array<i32>} : memref<25x1x8x128xi32, #tpu.memory_space<vmem>>, vector<16xi32>,
      %gather3A_663 = tpu.vector_load_idx %arg6[%get3A_662] : memref<102400xf32, #tpu.memory_space<vmem>>[vector<16xi32>], vector<16xf32>,
      %add3A_664 = arith.addf %add3A_592, %gather3A_663 : vector<16xf32>
      %get3A_665 = arith.constant 0 : i32
      %get3A_666 = arith.constant 7 : i32
      %get3A_667 = arith.index_cast %scan3A_100 : i32 to index
      %get3A_668 = arith.index_cast %get3A_665 : i32 to index
      %get3A_669 = arith.index_cast %get3A_666 : i32 to index
      %get3A_670 = arith.constant 96 : index
      %get3A_671 = tpu.vector_load %arg7[%get3A_667, %get3A_668, %get3A_669, %get3A_670] {strides = array<i32>} : memref<25x1x8x128xi32, #tpu.memory_space<vmem>>, vector<16xi32>,
      %gather3A_672 = tpu.vector_load_idx %arg6[%get3A_671] : memref<102400xf32, #tpu.memory_space<vmem>>[vector<16xi32>], vector<16xf32>,
      %add3A_673 = arith.addf %add3A_601, %gather3A_672 : vector<16xf32>
      %get3A_674 = arith.constant 0 : i32
      %get3A_675 = arith.constant 7 : i32
      %get3A_676 = arith.index_cast %scan3A_100 : i32 to index
      %get3A_677 = arith.index_cast %get3A_674 : i32 to index
      %get3A_678 = arith.index_cast %get3A_675 : i32 to index
      %get3A_679 = arith.constant 112 : index
      %get3A_680 = tpu.vector_load %arg7[%get3A_676, %get3A_677, %get3A_678, %get3A_679] {strides = array<i32>} : memref<25x1x8x128xi32, #tpu.memory_space<vmem>>, vector<16xi32>,
      %gather3A_681 = tpu.vector_load_idx %arg6[%get3A_680] : memref<102400xf32, #tpu.memory_space<vmem>>[vector<16xi32>], vector<16xf32>,
      %add3A_682 = arith.addf %add3A_610, %gather3A_681 : vector<16xf32>
      scf.yield %add3A_619, %add3A_628, %add3A_637, %add3A_646, %add3A_655, %add3A_664, %add3A_673, %add3A_682 : vector<16xf32>, vector<16xf32>, vector<16xf32>, vector<16xf32>, vector<16xf32>, vector<16xf32>, vector<16xf32>, vector<16xf32>
    }
    %scan3A_81 = arith.constant 25 : i32
    %swap3A_82 = arith.constant 128 : index
    %swap3A_83 = tpu.vector_load %arg8[%swap3A_82] {strides = array<i32>} : memref<256xf32, #tpu.memory_space<vmem>>, vector<16xf32>,
    tpu.vector_store %arg8[%swap3A_82], %scan3A_80#0 {strides = array<i32>} : memref<256xf32, #tpu.memory_space<vmem>>, vector<16xf32>,
    %swap3A_84 = arith.constant 144 : index
    %swap3A_85 = tpu.vector_load %arg8[%swap3A_84] {strides = array<i32>} : memref<256xf32, #tpu.memory_space<vmem>>, vector<16xf32>,
    tpu.vector_store %arg8[%swap3A_84], %scan3A_80#1 {strides = array<i32>} : memref<256xf32, #tpu.memory_space<vmem>>, vector<16xf32>,
    %swap3A_86 = arith.constant 160 : index
    %swap3A_87 = tpu.vector_load %arg8[%swap3A_86] {strides = array<i32>} : memref<256xf32, #tpu.memory_space<vmem>>, vector<16xf32>,
    tpu.vector_store %arg8[%swap3A_86], %scan3A_80#2 {strides = array<i32>} : memref<256xf32, #tpu.memory_space<vmem>>, vector<16xf32>,
    %swap3A_88 = arith.constant 176 : index
    %swap3A_89 = tpu.vector_load %arg8[%swap3A_88] {strides = array<i32>} : memref<256xf32, #tpu.memory_space<vmem>>, vector<16xf32>,
    tpu.vector_store %arg8[%swap3A_88], %scan3A_80#3 {strides = array<i32>} : memref<256xf32, #tpu.memory_space<vmem>>, vector<16xf32>,
    %swap3A_90 = arith.constant 192 : index
    %swap3A_91 = tpu.vector_load %arg8[%swap3A_90] {strides = array<i32>} : memref<256xf32, #tpu.memory_space<vmem>>, vector<16xf32>,
    tpu.vector_store %arg8[%swap3A_90], %scan3A_80#4 {strides = array<i32>} : memref<256xf32, #tpu.memory_space<vmem>>, vector<16xf32>,
    %swap3A_92 = arith.constant 208 : index
    %swap3A_93 = tpu.vector_load %arg8[%swap3A_92] {strides = array<i32>} : memref<256xf32, #tpu.memory_space<vmem>>, vector<16xf32>,
    tpu.vector_store %arg8[%swap3A_92], %scan3A_80#5 {strides = array<i32>} : memref<256xf32, #tpu.memory_space<vmem>>, vector<16xf32>,
    %swap3A_94 = arith.constant 224 : index
    %swap3A_95 = tpu.vector_load %arg8[%swap3A_94] {strides = array<i32>} : memref<256xf32, #tpu.memory_space<vmem>>, vector<16xf32>,
    tpu.vector_store %arg8[%swap3A_94], %scan3A_80#6 {strides = array<i32>} : memref<256xf32, #tpu.memory_space<vmem>>, vector<16xf32>,
    %swap3A_96 = arith.constant 240 : index
    %swap3A_97 = tpu.vector_load %arg8[%swap3A_96] {strides = array<i32>} : memref<256xf32, #tpu.memory_space<vmem>>, vector<16xf32>,
    tpu.vector_store %arg8[%swap3A_96], %scan3A_80#7 {strides = array<i32>} : memref<256xf32, #tpu.memory_space<vmem>>, vector<16xf32>,
    %mul3A_98 = arith.constant 256 : i32
    %mul3A_99 = arith.muli %arg1, %mul3A_98 : i32
    "tpu.region"() ({
      %run_scoped3A = tpu.sem_alloc : memref<!tpu.dma_semaphore, #tpu.memory_space<semaphore_mem>>
      %dma_start3A_100 = tpu.memref_slice %arg5[%arg0, %mul3A_99] : memref<2x4096xf32, #tpu.memory_space<hbm>> -> memref<1x256xf32, #tpu.memory_space<hbm>>
      %dma_start3A_101 = tpu.memref_squeeze %dma_start3A_100 : memref<1x256xf32, #tpu.memory_space<hbm>> -> memref<256xf32, #tpu.memory_space<hbm>>
      %dma_start3A_102 = tpu.memref_slice %arg5[%arg0, %mul3A_99] : memref<2x4096xf32, #tpu.memory_space<hbm>> -> memref<1x256xf32, #tpu.memory_space<hbm>>
      %dma_start3A_103 = tpu.memref_squeeze %dma_start3A_102 : memref<1x256xf32, #tpu.memory_space<hbm>> -> memref<256xf32, #tpu.memory_space<hbm>>
      tpu.enqueue_dma source(%arg8 : memref<256xf32, #tpu.memory_space<vmem>>) target(%dma_start3A_103 : memref<256xf32, #tpu.memory_space<hbm>>) target_semaphore(%run_scoped3A : memref<!tpu.dma_semaphore, #tpu.memory_space<semaphore_mem>>)
      %dma_wait3A_104 = tpu.memref_slice %arg5[%arg0, %mul3A_99] : memref<2x4096xf32, #tpu.memory_space<hbm>> -> memref<1x256xf32, #tpu.memory_space<hbm>>
      %dma_wait3A_105 = tpu.memref_squeeze %dma_wait3A_104 : memref<1x256xf32, #tpu.memory_space<hbm>> -> memref<256xf32, #tpu.memory_space<hbm>>
      %dma_wait3A_106 = tpu.memref_slice %arg5[%arg0, %mul3A_99] : memref<2x4096xf32, #tpu.memory_space<hbm>> -> memref<1x256xf32, #tpu.memory_space<hbm>>
      %dma_wait3A_107 = tpu.memref_squeeze %dma_wait3A_106 : memref<1x256xf32, #tpu.memory_space<hbm>> -> memref<256xf32, #tpu.memory_space<hbm>>
      tpu.wait_dma2 semaphore(%run_scoped3A : memref<!tpu.dma_semaphore, #tpu.memory_space<semaphore_mem>>) src(%arg8 : memref<256xf32, #tpu.memory_space<vmem>>) dst(%dma_wait3A_107 : memref<256xf32, #tpu.memory_space<hbm>>)
      tpu.yield
    }) : () -> ()
    return
  }
}

module attributes {stable_mosaic.version = 14 : i64} {
  func.func @_proj_body(%arg0: i32, %arg1: memref<2x128xf32, #tpu.memory_space<vmem>>, %arg2: memref<2xf32, #tpu.memory_space<smem>>, %arg3: memref<20480x128xf32, #tpu.memory_space<vmem>>, %arg4: memref<20480xf32, #tpu.memory_space<vmem>>, %arg5: memref<20480xf32, #tpu.memory_space<vmem>>) attributes {dimension_semantics = [#tpu.dimension_semantics<arbitrary>], iteration_bounds = array<i64: 5>, scalar_prefetch = 0 : i64, scratch_operands = 0 : i64, tpu.core_type = #tpu.core_type<tc>, window_params = [{pipeline_mode = #tpu.pipeline_mode<synchronous>, transform_indices = @transform_0, window_bounds = array<i64: 2, 128>}, {transform_indices = @transform_1, window_bounds = array<i64: 2>}, {transform_indices = @transform_2, window_bounds = array<i64: 20480, 128>}, {transform_indices = @transform_3, window_bounds = array<i64: 20480>}, {transform_indices = @transform_4, window_bounds = array<i64: 20480>}]} {
    %get3A = arith.constant 0 : index
    %get3A_0 = arith.constant 0 : index
    %get3A_1 = vector.load %arg1[%get3A, %get3A_0] : memref<2x128xf32, #tpu.memory_space<vmem>>, vector<2x128xf32>
    %get3A_2 = arith.constant 0 : index
    %get3A_3 = arith.constant 0 : index
    %get3A_4 = vector.load %arg3[%get3A_2, %get3A_3] : memref<20480x128xf32, #tpu.memory_space<vmem>>, vector<20480x128xf32>
    %dot_general3A = arith.constant dense<0.000000e+00> : vector<2x20480xf32>
    %dot_general3A_5 = tpu.matmul %get3A_1, %get3A_4, %dot_general3A {dimension_numbers = #tpu.dot_dimension_numbers<[1], [1], [0], [0], [0, 0, 1, 0], [], []>, transpose_lhs_hint = false} : vector<2x128xf32>, vector<20480x128xf32>, vector<2x20480xf32> -> vector<2x20480xf32>
    %mul3A = arith.constant 5.000000e-03 : f32
    %mul3A_6 = vector.broadcast %mul3A : f32 to vector<2x20480xf32>
    %mul3A_7 = arith.mulf %dot_general3A_5, %mul3A_6 : vector<2x20480xf32>
    %slice3A = vector.extract_strided_slice %mul3A_7 {offsets = [0, 0], sizes = [1, 20480], strides = [1, 1]} : vector<2x20480xf32> to vector<1x20480xf32>
    %squeeze3A = vector.shape_cast %slice3A : vector<1x20480xf32> to vector<20480xf32>
    %get3A_8 = arith.constant 0 : index
    %get3A_9 = memref.load %arg2[%get3A_8] : memref<2xf32, #tpu.memory_space<smem>>
    %mul3A_10 = arith.constant 5.000000e-03 : f32
    %mul3A_11 = arith.mulf %get3A_9, %mul3A_10 : f32
    %add3A = vector.broadcast %mul3A_11 : f32 to vector<20480xf32>
    %add3A_12 = arith.addf %squeeze3A, %add3A : vector<20480xf32>
    %swap3A = arith.constant 0 : index
    %swap3A_13 = vector.load %arg4[%swap3A] : memref<20480xf32, #tpu.memory_space<vmem>>, vector<20480xf32>
    tpu.vector_store %arg4[%swap3A], %add3A_12 {strides = array<i32>} : memref<20480xf32, #tpu.memory_space<vmem>>, vector<20480xf32>,
    %slice3A_14 = vector.extract_strided_slice %mul3A_7 {offsets = [1, 0], sizes = [1, 20480], strides = [1, 1]} : vector<2x20480xf32> to vector<1x20480xf32>
    %squeeze3A_15 = vector.shape_cast %slice3A_14 : vector<1x20480xf32> to vector<20480xf32>
    %get3A_16 = arith.constant 1 : index
    %get3A_17 = memref.load %arg2[%get3A_16] : memref<2xf32, #tpu.memory_space<smem>>
    %mul3A_18 = arith.constant 5.000000e-03 : f32
    %mul3A_19 = arith.mulf %get3A_17, %mul3A_18 : f32
    %add3A_20 = vector.broadcast %mul3A_19 : f32 to vector<20480xf32>
    %add3A_21 = arith.addf %squeeze3A_15, %add3A_20 : vector<20480xf32>
    %swap3A_22 = arith.constant 0 : index
    %swap3A_23 = vector.load %arg5[%swap3A_22] : memref<20480xf32, #tpu.memory_space<vmem>>, vector<20480xf32>
    tpu.vector_store %arg5[%swap3A_22], %add3A_21 {strides = array<i32>} : memref<20480xf32, #tpu.memory_space<vmem>>, vector<20480xf32>,
    return
  }
  func.func @transform_0(%arg0: i32) -> (i32, i32) {
    %c0_i32 = arith.constant 0 : i32
    %c0_i32_0 = arith.constant 0 : i32
    %c0_i32_1 = arith.constant 0 : i32
    return %c0_i32, %c0_i32_0 : i32, i32
  }
  func.func @transform_1(%arg0: i32) -> i32 {
    %c0_i32 = arith.constant 0 : i32
    %c0_i32_0 = arith.constant 0 : i32
    return %c0_i32 : i32
  }
  func.func @transform_2(%arg0: i32) -> (i32, i32) {
    %c0_i32 = arith.constant 0 : i32
    %c0_i32_0 = arith.constant 0 : i32
    return %arg0, %c0_i32 : i32, i32
  }
  func.func @transform_3(%arg0: i32) -> i32 {
    %c0_i32 = arith.constant 0 : i32
    return %arg0 : i32
  }
  func.func @transform_4(%arg0: i32) -> i32 {
    %c0_i32 = arith.constant 0 : i32
    return %arg0 : i32
  }
}

</mosaic_0001>

<sc_bundles>
// kernel: kernel.4.cloned.1.call-start
scs
__scs_entry_jumppad:
0x0: {  	(pc) =	sbr.rel $0x88, $3  }
0x1: {  	(tag) =	ssettag $0x0;
	lr =	simm.s32 $0x1  }
0x2: {  	[smem:$0x3F9D] =	sst lr;
	_ =	strace $0xD0000000  }
0x3: {  	_ = 	snop  }
0x4: {  	_ = 	snop  }
0x5: {  	_ = 	snop  }
0x6: {  	_ = 	snop  }
0x7: {  	_ = 	snop  }
__scs_overlays_trampoline_lowered:
0x8: {  	[smem:$0x3FAC] =	sst s0  }
0x9: {  	[smem:$0x3FAD] =	sst s1  }
0xa: {  	[smem:$0x3FAE] =	sst s2  }
0xb: {  	[smem:$0x3FAF] =	sst s3  }
0xc: {  	[smem:$0x3FB0] =	sst s4  }
0xd: {  	[smem:$0x3FB1] =	sst s5  }
0xe: {  	[smem:$0x3FB2] =	sst s6  }
0xf: {  	[smem:$0x3FB3] =	sst s7  }
0x10: {  	[smem:$0x3FB4] =	sst s8  }
0x11: {  	[smem:$0x3FB5] =	sst s9;
	s0 =	simm.s32 @!p0 $0x0  }
0x12: {  	s1 =	sld [smem:$0x3F9B];
	s0 =	simm.s32 @p0 $0x1  }
0x13: {  	[smem:$0x3FB6] =	sst s0;
	s0 =	simm.s32 @!p1 $0x0  }
0x14: {  	s2 =	sld [smem:$0x3F9A];
	s0 =	simm.s32 @p1 $0x1  }
0x15: {  	[smem:$0x3FB7] =	sst s0;
	s0 =	simm.s32 @!p2 $0x0  }
0x16: {  	s3 =	sld [smem:$0x3FDB];
	s0 =	simm.s32 @p2 $0x1  }
0x17: {  	s4 =	simm.s32 $0x1BF5;
	[smem:$0x3FB9] =	sst s0  }
0x18: {  	s0 =	sld [smem:$0x3F9C];
	_ =	swait.ge [sflag:s4], $0x0  }
0x19: {  	s7 =	sld [smem:$0x3F9D]  }
0x1a: {  	s8 =	sadd.s32 $0xFFFFE003, lr  }
0x1b: {  	s9 =	sadd.s32 $0xFFFFFEF7, lr;
	s5 =	simm.s32 $0xFFFFFFFF;
	p2 =	slt.u32 s8, $0xFFFFF086  }
0x1c: {  	p1 =	slt.u32 s9, $0xF7A;
	s5 =	simm.s32 @!p2 $0x0  }
0x1d: {  	s5 =	simm.s32 @p1 $0x1;
	p0 =	seq.s32 s7, s2  }
0x1e: {  	s7 =	smul.u32 @!p0 $0xF7A, s2;
	p2 =	seq.s32 @!p0 s5, $0x0  }
0x1f: {  	s9 =	smul.u32 $0xF7A, s1;
	s8 =	simm.s32 @!p0 $0x1BF5;
	p2 =	por !p2, p0  }
0x20: {  	[sflag:s8] =	ssyncset.s32 @!p0 $0xFFFFF086;
	s6 =	sadd.s32 @!p0 s3, s7;
	s7 =	simm.s32 @!p0 $0x108  }
0x21: {  	s3 =	sadd.s32 s3, s9;
	s6 =	sadd.s32 @!p0 $0x88, s6;
	s7 =	simm.s32 @p2 $0x1082  }
0x22: {  	[simem:s7], [sflag:s8] =	dma.local @!p0 [hbm:s6], $0xF7A  }
0x23: {  	s9 =	sor.u32 $0xD0000000, s2;
	s6 =	simm.s32 $0x108;
	_ =	swait.ge @!p0 [sflag:s8], $0x0  }
0x24: {  	s3 =	sadd.s32 $0x88, s3;
	s6 =	simm.s32 @!p1 $0x1082;
	[sflag:s4] =	ssyncset.s32 $0xFFFFF086  }
0x25: {  	[simem:s6], [sflag:s4] =	dma.local [hbm:s3], $0xF7A  }
0x26: {  	[smem:$0x3F9D] =	sst s1;
	(tag) =	ssettag s2;
	_ =	strace s9  }
0x27: {  	s1 =	sld [smem:$0x3FAD]  }
0x28: {  	s2 =	sld [smem:$0x3FAE]  }
0x29: {  	s4 =	sld [smem:$0x3FB0]  }
0x2a: {  	p0 =	seq.s32 s5, $0x0;
	s5 =	sld [smem:$0x3FB1]  }
0x2b: {  	s6 =	sld [smem:$0x3FB2]  }
0x2c: {  	s7 =	sld [smem:$0x3FB3]  }
0x2d: {  	s3 =	simm.s32 $0x108;
	s8 =	sld [smem:$0x3FB4]  }
0x2e: {  	s3 =	simm.s32 @!p0 $0x1082;
	s9 =	sld [smem:$0x3FB5]  }
0x2f: {  	lr =	sadd.s32 s0, s3;
	s0 =	sld [smem:$0x3FAC]  }
0x30: {  	s3 =	sld [smem:$0x3FAF]  }
0x31: {  	[smem:$0x3FB8] =	sst s10  }
0x32: {  	s10 =	sld [smem:$0x3FB6];
	_ =	sdelay $0x3  }
0x33: {  	p0 =	seq.s32 s10, $0x1;
	s10 =	sld [smem:$0x3FB8];
	_ =	sdelay $0x3  }
0x34: {  	[smem:$0x3FB8] =	sst s10  }
0x35: {  	s10 =	sld [smem:$0x3FB7];
	_ =	sdelay $0x3  }
0x36: {  	p1 =	seq.s32 s10, $0x1;
	s10 =	sld [smem:$0x3FB8];
	_ =	sdelay $0x3  }
0x37: {  	[smem:$0x3FB8] =	sst s10  }
0x38: {  	s10 =	sld [smem:$0x3FB9]  }
0x39: {  	_ = 	snop;
	(pc) =	sbr.ind lr, $3  }
0x3a: {  	_ = 	snop  }
0x3b: {  	_ = 	snop  }
0x3c: {  	p2 =	seq.s32 s10, $0x1;
	s10 =	sld [smem:$0x3FB8]  }
0x3d: {  	_ =	shalt  }
0x3e: {  	_ =	shalt  }
0x3f: {  	_ =	shalt  }
0x40: {  	_ =	shalt  }
0x41: {  	_ =	shalt  }
0x42: {  	_ =	shalt  }
0x43: {  	_ =	shalt  }
0x44: {  	_ =	shalt  }
0x45: {  	_ =	shalt  }
0x46: {  	_ =	shalt  }
0x47: {  	_ =	shalt  }
0x48: {  	_ =	shalt  }
0x49: {  	_ =	shalt  }
0x4a: {  	_ =	shalt  }
0x4b: {  	_ =	shalt  }
0x4c: {  	_ =	shalt  }
0x4d: {  	_ =	shalt  }
0x4e: {  	_ =	shalt  }
0x4f: {  	_ =	shalt  }
0x50: {  	_ =	shalt  }
0x51: {  	_ =	shalt  }
0x52: {  	_ =	shalt  }
0x53: {  	_ =	shalt  }
0x54: {  	_ =	shalt  }
0x55: {  	_ =	shalt  }
0x56: {  	_ =	shalt  }
0x57: {  	_ =	shalt  }
0x58: {  	_ =	shalt  }
0x59: {  	_ =	shalt  }
0x5a: {  	_ =	shalt  }
0x5b: {  	_ =	shalt  }
0x5c: {  	_ =	shalt  }
0x5d: {  	_ =	shalt  }
0x5e: {  	_ =	shalt  }
0x5f: {  	_ =	shalt  }
0x60: {  	_ =	shalt  }
0x61: {  	_ =	shalt  }
0x62: {  	_ =	shalt  }
0x63: {  	_ =	shalt  }
0x64: {  	_ =	shalt  }
0x65: {  	_ =	shalt  }
0x66: {  	_ =	shalt  }
0x67: {  	_ =	shalt  }
0x68: {  	_ =	shalt  }
0x69: {  	_ =	shalt  }
0x6a: {  	_ =	shalt  }
0x6b: {  	_ =	shalt  }
0x6c: {  	_ =	shalt  }
0x6d: {  	_ =	shalt  }
0x6e: {  	_ =	shalt  }
0x6f: {  	_ =	shalt  }
0x70: {  	_ =	shalt  }
0x71: {  	_ =	shalt  }
0x72: {  	_ =	shalt  }
0x73: {  	_ =	shalt  }
0x74: {  	_ =	shalt  }
0x75: {  	_ =	shalt  }
0x76: {  	_ =	shalt  }
0x77: {  	_ =	shalt  }
0x78: {  	_ =	shalt  }
0x79: {  	_ =	shalt  }
0x7a: {  	_ =	shalt  }
0x7b: {  	_ =	shalt  }
0x7c: {  	_ =	shalt  }
0x7d: {  	_ =	shalt  }
0x7e: {  	_ =	shalt  }
0x7f: {  	_ =	shalt  }
0x80: {  	_ =	shalt  }
0x81: {  	_ =	shalt  }
0x82: {  	_ =	shalt  }
0x83: {  	_ =	shalt  }
0x84: {  	_ =	shalt  }
0x85: {  	_ =	shalt  }
0x86: {  	_ =	shalt  }
0x87: {  	_ =	shalt  }
.Lfunc_end0:
.L_simem_size_0:
called_computation_lowered:
.L_overlay_start_0:
0x88: {  	s2 =	sld [smem:$0x3FD9]  }
0x89: {  	s3 =	sld [smem:$0x3FFE];
	_ =	sdelay $0x1  }
0x8a: {  	s1 =	srdreg.scid  }
0x8b: {  	s0 =	sand.u32 $0x1, s1  }
0x8c: {  	s17 =	sshll.u32 s0, $0xA;
	s2 =	sadd.s32 s3, s2  }
0x8d: {  	s2 =	sadd.s32 s2, s17  }
0x8e: {  	[smem:$0x3FC4] =	sst s2  }
0x8f: {  	_ = 	snop  }
0x90: {  	s2 =	sld [smem:$0x3FC9]  }
0x91: {  	s18 =	sld [smem:$0x3FD0];
	(tm) =	ssettm $0x1  }
0x92: {  	s4 =	sld [smem:$0x3FFB];
	_ =	sdelay $0x3  }
0x93: {  	_ =	strace s4  }
0x94: {  	s4 =	sld [smem:$0x3FFC];
	_ =	sdelay $0x3  }
0x95: {  	_ =	strace s4  }
0x96: {  	s4 =	sld [smem:$0x3FFD];
	_ =	sdelay $0x3  }
0x97: {  	_ =	strace s4  }
0x98: {  	_ =	strace $0x8FFFFFFF  }
0x99: {  	s19 =	sld [smem:$0x3FDB];
	_ =	sdelay $0x1  }
0x9a: {  	s5 =	simm.s32 $_scs_section_size  }
0x9b: {  	s6 =	simm.s32 $_size__tile_overlayer_lowered;
	s7 =	simm.s32 $_tile_overlayer_lowered  }
0x9c: {  	s22 =	simm.s32 $0x1BFF;
	s21 =	sshll.u32 s7, $0x1;
	s4 =	sadd.s32 s5, s19  }
0x9d: {  	s8 =	simm.s32 $0x0;
	s20 =	sshll.u32 s6, $0x1;
	s6 =	sadd.s32 s21, s4  }
0x9e: {  	[timem:s8], [sflag:s22] =	dma.local [hbm:s6], s20  }
0x9f: {  	_ =	swait.ge [sflag:s22], s20  }
0xa0: {  	s5 =	ssub.s32 $0x0, s20;
	[sflag:s22] =	ssyncset.done $0x0  }
0xa1: {  	[sflag:s22] =	ssyncadd.s32 s5;
	_ =	sdelay $0x1  }
0xa2: {  	s23 =	simm.s32 $0x1B8B  }
0xa3: {  	_ =	swait.ge [sflag:s23], $0x1  }
0xa4: {  	[sflag:s23] =	ssyncset.done $0x0  }
0xa5: {  	s25 =	simm.s32 $0x1B8E;
	s24 =	sld [smem:$0x3FFE];
	[sflag:s23] =	ssyncadd.s32 $0xFFFFFFFF  }
0xa6: {  	s26 =	simm.s32 $execute0_lowered;
	[smem:$0x3FD2] =	sst s25  }
0xa7: {  	s6 =	sshll.u32 s26, $0x1;
	_ =	strace $0x80000046;
	[dreg:$0x1] =	wrdreg $0xFFFFFFFF  }
0xa8: {  	s28 =	simm.s32 $_size_execute0_lowered;
	s4 =	sadd.s32 s4, s6;
	[dreg:$0x0] =	wrdreg $0x0  }
0xa9: {  	s6 =	sshll.u32 s28, $0x1;
	[dreg:$0x2] =	wrdreg s4  }
0xaa: {  	[dreg:$0x3] =	wrdreg s6  }
0xab: {  	[dreg:$0x4] =	wrdreg $0xC0  }
0xac: {  	_ =	task [dreg:s8], $0x5FFFF  }
0xad: {  	[dreg:$0x1] =	wrdreg $0xFFFFFFFF  }
0xae: {  	[dreg:$0x0] =	wrdreg $0x60  }
0xaf: {  	[dreg:$0x2] =	wrdreg s24  }
0xb0: {  	[dreg:$0x3] =	wrdreg s2  }
0xb1: {  	[dreg:$0x4] =	wrdreg s18  }
0xb2: {  	[dreg:$0x5] =	wrdreg $0x9  }
0xb3: {  	_ =	task.clear_ibuf [dreg:s8], $0x6FFFF;
	_ =	strace $0x90000046  }
0xb4: {  	s29 =	simm.s32 $0x9;
	_ =	strace $0x80000048  }
0xb5: {  	_ =	swait.ge [sflag:s29], $0x1  }
0xb6: {  	[sflag:s29] =	ssyncadd.s32 $0xFFFFFFFF  }
0xb7: {  	_ =	strace $0x90000048  }
0xb8: {  	_ =	sfence  }
0xb9: {  	s30 =	sld [smem:$0x0];
	_ =	sdelay $0x2  }
0xba: {  	s31 =	sshll.u32 s1, $0xD;
	s1 =	sshrl.u32 s1, $0x2  }
0xbb: {  	s3 =	sand.u32 $0x4000, s31;
	s1 =	sadd.s32 s1, s30  }
0xbc: {  	s0 =	sor.u32 s3, s0;
	s1 =	sshll.u32 s1, $0x11  }
0xbd: {  	s0 =	sor.u32 s1, s0  }
0xbe: {  	s0 =	sadd.s32 $0x8F2B, s0  }
0xbf: {  	[sflag:s0] =	ssyncadd.remote.s32 $0x1  }
0xc0: {  	_ =	sfence.sel $0xFFFF  }
0xc1: {  	[dreg:$0x0] =	wrdreg $0xFFFFFFFF;
	(pc) =	sbr.abs _section_cstart, $3  }
0xc2: {  	[dreg:$0x1] =	wrdreg $0xFFFFFFFF  }
0xc3: {  	_ =	task.clear_ibuf [dreg:s8], $0x2FFFF;
	_ =	strace $0x9FFFFFFF  }
0xc4: {  	(tm) =	ssettm $0x7FFFFFFF  }
0xc5: {  	_ =	shalt  }
tec
execute0_lowered:
.L_overlay_start_1:
0x0: {  	(tag) =	ssettag $0x1  }
0x1: {  	s7 =	rddreg [dreg:$0x0]  }
0x2: {  	s3 =	rddreg [dreg:$0x1]  }
0x3: {  	s0 =	srdreg.scid;
	s4 =	rddreg [dreg:$0x2];
	s2 =	simm.s32 $0x0  }
0x4: {  	s1 =	stileid.u32;
	s9 =	simm.s32 $0x4000;
	s10 =	simm.s32 $0x19000  }
0x5: {  	s11 =	simm.s32 $0x1;
	s12 =	simm.s32 $0x2;
	s13 =	simm.s32 $0x3  }
0x6: {  	s14 =	simm.s32 $0x80;
	s15 =	simm.s32 $0x100;
	s16 =	simm.s32 $0x1F400  }
0x7: {  	s17 =	simm.s32 $0x0;
	s5 =	sand.u32 $0x1, s0;
	s0 =	rddreg [dreg:$0x3]  }
0x8: {  	[smem:$0x7FF] =	sst s2;
	s30 =	sshll.u32 s1, $0x8;
	s31 =	sshll.u32 s1, $0x6  }
0x9: {  	s6 =	ssub.s32 $0x2, s5;
	_ =	strace $0x80000047;
	s3 =	sadd.s32 s3, s30  }
0xa: {  	p0 =	seq.s32 s5, $0x1;
	s5 =	sshll.u32 s5, $0x4;
	s8 =	sshrl.u32 s6, $0x1  }
0xb: {  	s5 =	sadd.s32 s4, s5;
	s4 =	sadd.s32 $0x80, s3;
	s9 =	simm.s32 @!p0 $0xE00  }
0xc: {  	s6 =	ssub.s32 s6, s8;
	s5 =	sadd.s32 s31, s5;
	s7 =	sadd.s32 s9, s7  }
0xd: {  	s8 =	simm.s32 $0x400;
	s9 =	simm.s32 $0x8000;
	s6 =	smax.u32 s6, $0x1  }
.LBB2_1:
0xe: {  	[tilespmem:s10], [sflag:$0x2] =	stream.strided.gather [hbm4b:s3+s8], $0x6400, s9, s8, $0x38;
	[tilespmem:$0x1F500] =	vst v63  }
0xf: {  	_ = 	snop  }
0x10: {  	[tilespmem:s2], [sflag:$0x1] =	stream.linear.gather [hbm4b:s7+s2], $0x19000, $0x38;
	[tilespmem:$0x1F500] =	vst v63  }
0x11: {  	_ =	swait.ge [sflag:s11], $0x19000  }
0x12: {  	[sflag:s11] =	ssyncset.done $0x0  }
0x13: {  	[sflag:s11] =	ssyncadd.s32 $0xFFFE7000  }
0x14: {  	_ =	swait.ge [sflag:s12], $0x6400  }
0x15: {  	[sflag:s12] =	ssyncset.done $0x0  }
0x16: {  	s18 =	simm.s32 $0x0;
	[sflag:s12] =	ssyncadd.s32 $0xFFFF9C00  }
0x17: {  	v29 =	vld [tilespmem:s18+$0x19380]  }
0x18: {  	v31 =	vld [tilespmem:s18+$0x19390]  }
0x19: {  	v9 =	vld [tilespmem:s18+$0x193A0]  }
0x1a: {  	v42 =	vld [tilespmem:s18+$0x193B0]  }
0x1b: {  	v11 =	vld [tilespmem:s18+$0x193C0]  }
0x1c: {  	v43 =	vld [tilespmem:s18+$0x193D0]  }
0x1d: {  	v0 =	vld [tilespmem:s18+$0x193E0]  }
0x1e: {  	v44 =	vld [tilespmem:s18+$0x19300]  }
0x1f: {  	v45 =	vld [tilespmem:s18+$0x19310]  }
0x20: {  	v16 =	vld [tilespmem:s18+$0x19320]  }
0x21: {  	v17 =	vld [tilespmem:s18+$0x19330]  }
0x22: {  	v47 =	vld [tilespmem:s18+$0x19340]  }
0x23: {  	v48 =	vld [tilespmem:s18+$0x19350]  }
0x24: {  	v49 =	vld [tilespmem:s18+$0x19280]  }
0x25: {  	v50 =	vld [tilespmem:s18+$0x19290]  }
0x26: {  	v24 =	vld [tilespmem:s18+$0x192A0]  }
0x27: {  	v25 =	vld [tilespmem:s18+$0x192B0]  }
0x28: {  	v30 =	vld [tilespmem:s18+$0x192C0]  }
0x29: {  	v32 =	vld [tilespmem:s18+$0x192D0]  }
0x2a: {  	v46 =	vld [tilespmem:s18+$0x19200]  }
0x2b: {  	v51 =	vld [tilespmem:s18+$0x19210]  }
0x2c: {  	v52 =	vld [tilespmem:s18+$0x19220]  }
0x2d: {  	v53 =	vld [tilespmem:s18+$0x19230]  }
0x2e: {  	v58 =	vld [tilespmem:s18+$0x19240]  }
0x2f: {  	v59 =	vld [tilespmem:s18+$0x19250]  }
0x30: {  	v60 =	vld [tilespmem:s18+$0x19180]  }
0x31: {  	v61 =	vld [tilespmem:s18+$0x19190]  }
0x32: {  	v2 =	vld [tilespmem:s18+$0x191A0]  }
0x33: {  	v5 =	vld [tilespmem:s18+$0x191B0]  }
0x34: {  	v4 =	vld [tilespmem:s18+$0x191C0]  }
0x35: {  	v28 =	vld [tilespmem:s18+$0x191D0]  }
0x36: {  	v62 =	vld [tilespmem:s18+$0x19100]  }
0x37: {  	v63 =	vld [tilespmem:s18+$0x19110]  }
0x38: {  	v6 =	vld [tilespmem:s18+$0x19130]  }
0x39: {  	v36 =	vld [tilespmem:s18+$0x19140]  }
0x3a: {  	v35 =	vld [tilespmem:s18+$0x19150]  }
0x3b: {  	v19 =	vld [tilespmem:s18+$0x19160]  }
0x3c: {  	v18 =	vld [tilespmem:s18+$0x19170]  }
0x3d: {  	v10 =	vld [tilespmem:s18+$0x19080]  }
0x3e: {  	v13 =	vld [tilespmem:s18+$0x19090]  }
0x3f: {  	v14 =	vld [tilespmem:s18+$0x190A0]  }
0x40: {  	v15 =	vld [tilespmem:s18+$0x190B0]  }
0x41: {  	v38 =	vld [tilespmem:s18+$0x190C0]  }
0x42: {  	v37 =	vld [tilespmem:s18+$0x190D0]  }
0x43: {  	v27 =	vld [tilespmem:s18+$0x190E0]  }
0x44: {  	v26 =	vld [tilespmem:s18+$0x190F0]  }
0x45: {  	[tilespmem:$0x1FF00] =	vst v0;
	v0 =	vld [tilespmem:s18+$0x193F0]  }
0x46: {  	v20 =	vld [tilespmem:s18+$0x19000]  }
0x47: {  	v21 =	vld [tilespmem:s18+$0x19010]  }
0x48: {  	v22 =	vld [tilespmem:s18+$0x19020]  }
0x49: {  	v23 =	vld [tilespmem:s18+$0x19030]  }
0x4a: {  	[tilespmem:$0x1FF10] =	vst v0;
	v0 =	vld [tilespmem:s18+$0x19360]  }
0x4b: {  	v41 =	vld [tilespmem:s18+$0x19040]  }
0x4c: {  	v40 =	vld [tilespmem:s18+$0x19050]  }
0x4d: {  	v39 =	vld [tilespmem:s18+$0x19060]  }
0x4e: {  	v33 =	vld.idx.msk [tilespmem:v29+s2+$0x0], $0xffff  }
0x4f: {  	[tilespmem:$0x1FF20] =	vst v0;
	v0 =	vld [tilespmem:s18+$0x19370]  }
0x50: {  	v34 =	vld.idx.msk [tilespmem:v31+s2+$0x0], $0xffff  }
0x51: {  	v31 =	vld.idx.msk [tilespmem:v9+s2+$0x0], $0xffff  }
0x52: {  	v29 =	vld.idx.msk [tilespmem:v42+s2+$0x0], $0xffff  }
0x53: {  	v1 =	vld.idx.msk [tilespmem:v11+s2+$0x0], $0xffff  }
0x54: {  	[tilespmem:$0x1FF30] =	vst v0;
	v0 =	vld [tilespmem:s18+$0x192E0]  }
0x55: {  	v45 =	vld.idx.msk [tilespmem:v45+s2+$0x0], $0xffff  }
0x56: {  	v42 =	vld.idx.msk [tilespmem:v16+s2+$0x0], $0xffff  }
0x57: {  	v9 =	vld.idx.msk [tilespmem:v48+s2+$0x0], $0xffff  }
0x58: {  	v48 =	vld.idx.msk [tilespmem:v49+s2+$0x0], $0xffff  }
0x59: {  	[tilespmem:$0x1FF40] =	vst v0;
	v0 =	vld [tilespmem:s18+$0x192F0]  }
0x5a: {  	v50 =	vld.idx.msk [tilespmem:v50+s2+$0x0], $0xffff  }
0x5b: {  	v49 =	vld.idx.msk [tilespmem:v25+s2+$0x0], $0xffff  }
0x5c: {  	v25 =	vld.idx.msk [tilespmem:v30+s2+$0x0], $0xffff  }
0x5d: {  	v55 =	vld.idx.msk [tilespmem:v46+s2+$0x0], $0xffff  }
0x5e: {  	[tilespmem:$0x1FF50] =	vst v0;
	v0 =	vld [tilespmem:s18+$0x19260]  }
0x5f: {  	v57 =	vld.idx.msk [tilespmem:v51+s2+$0x0], $0xffff  }
0x60: {  	v54 =	vld.idx.msk [tilespmem:v52+s2+$0x0], $0xffff  }
0x61: {  	v56 =	vld.idx.msk [tilespmem:v53+s2+$0x0], $0xffff  }
0x62: {  	v30 =	vld.idx.msk [tilespmem:v59+s2+$0x0], $0xffff  }
0x63: {  	[tilespmem:$0x1FF60] =	vst v0;
	v0 =	vld [tilespmem:s18+$0x19270]  }
0x64: {  	v59 =	vld.idx.msk [tilespmem:v61+s2+$0x0], $0xffff  }
0x65: {  	v61 =	vld.idx.msk [tilespmem:v63+s2+$0x0], $0xffff  }
0x66: {  	v51 =	vld.idx.msk [tilespmem:v10+s2+$0x0], $0xffff  }
0x67: {  	v13 =	vld.idx.msk [tilespmem:v13+s2+$0x0], $0xffff  }
0x68: {  	[tilespmem:$0x1FF70] =	vst v0;
	v0 =	vld [tilespmem:s18+$0x191E0]  }
0x69: {  	v20 =	vld.idx.msk [tilespmem:v20+s2+$0x0], $0xffff  }
0x6a: {  	v21 =	vld.idx.msk [tilespmem:v21+s2+$0x0], $0xffff  }
0x6b: {  	v53 =	vld.idx.msk [tilespmem:v22+s2+$0x0], $0xffff  }
0x6c: {  	v22 =	vld.idx.msk [tilespmem:v14+s2+$0x0], $0xffff  }
0x6d: {  	[tilespmem:$0x1FF80] =	vst v0;
	v0 =	vld [tilespmem:s18+$0x191F0]  }
0x6e: {  	v63 =	vld.idx.msk [tilespmem:v6+s2+$0x0], $0xffff  }
0x6f: {  	[tilespmem:$0x1FFA0] =	vst v1;
	v1 =	vld.idx.msk [tilespmem:v43+s2+$0x0], $0xffff  }
0x70: {  	v43 =	vld.idx.msk [tilespmem:v44+s2+$0x0], $0xffff  }
0x71: {  	v44 =	vld.idx.msk [tilespmem:v17+s2+$0x0], $0xffff  }
0x72: {  	[tilespmem:$0x1FF90] =	vst v0;
	v0 =	vld [tilespmem:s18+$0x19120]  }
0x73: {  	v17 =	vld.idx.msk [tilespmem:v47+s2+$0x0], $0xffff  }
0x74: {  	v47 =	vld.idx.msk [tilespmem:v24+s2+$0x0], $0xffff  }
0x75: {  	v24 =	vld.idx.msk [tilespmem:v32+s2+$0x0], $0xffff  }
0x76: {  	v32 =	vld.idx.msk [tilespmem:v58+s2+$0x0], $0xffff  }
0x77: {  	v58 =	vld.idx.msk [tilespmem:v60+s2+$0x0], $0xffff  }
0x78: {  	v60 =	vld.idx.msk [tilespmem:v62+s2+$0x0], $0xffff  }
0x79: {  	[tilespmem:$0x1FFB0] =	vst v1;
	v1 =	vld.idx.msk [tilespmem:v23+s2+$0x0], $0xffff  }
0x7a: {  	v3 =	vimm.f32 $0.0e+00;
	v62 =	vld.idx.msk [tilespmem:v0+s2+$0x0], $0xffff  }
0x7b: {  	v0 =	vadd.f32 v20, v3;
	v20 =	vld.idx.msk [tilespmem:v2+s2+$0x0], $0xffff;
	v2 =	vimm.f32 $0.0e+00  }
0x7c: {  	v46 =	vld [tilespmem:s18+$0x19070];
	[tilespmem:$0x1FFC0] =	vst v2;
	v2 =	vimm.f32 $0.0e+00  }
0x7d: {  	v7 =	vadd.f32 v21, v3;
	v21 =	vld.idx.msk [tilespmem:v5+s2+$0x0], $0xffff;
	[tilespmem:$0x1FFD0] =	vst v2;
	v2 =	vimm.f32 $0.0e+00  }
0x7e: {  	v23 =	vld.idx.msk [tilespmem:v15+s2+$0x0], $0xffff;
	v1 =	vadd.f32 v1, v3;
	v52 =	vadd.f32 v51, v0;
	[tilespmem:$0x1FFE0] =	vst v2;
	v2 =	vimm.f32 $0.0e+00  }
0x7f: {  	s18 =	simm.s32 $0x1000;
	v0 =	vadd.f32 v53, v3;
	v53 =	vadd.f32 v13, v7;
	v51 =	vld.idx.msk [tilespmem:v4+s2+$0x0], $0xffff;
	[tilespmem:$0x1FFF0] =	vst v2  }
.LBB2_2:
0x80: {  	v2 =	vld [tilespmem:$0x1FF80]  }
0x81: {  	v11 =	vld [tilespmem:$0x1FF00];
	s19 =	sshra.s32 s18, $0x2  }
0x82: {  	v14 =	vld [tilespmem:s19+$0x19010]  }
0x83: {  	v15 =	vld [tilespmem:s19+$0x19020]  }
0x84: {  	v16 =	vld [tilespmem:s19+$0x19030]  }
0x85: {  	v0 =	vadd.f32 v22, v0;
	v22 =	vld.idx.msk [tilespmem:v28+s2+$0x0], $0xffff  }
0x86: {  	v36 =	vld.idx.msk [tilespmem:v36+s2+$0x0], $0xffff  }
0x87: {  	v35 =	vld.idx.msk [tilespmem:v35+s2+$0x0], $0xffff  }
0x88: {  	v38 =	vld.idx.msk [tilespmem:v38+s2+$0x0], $0xffff  }
0x89: {  	v37 =	vld.idx.msk [tilespmem:v37+s2+$0x0], $0xffff  }
0x8a: {  	v41 =	vld.idx.msk [tilespmem:v41+s2+$0x0], $0xffff  }
0x8b: {  	v46 =	vld.idx.msk [tilespmem:v46+s2+$0x0], $0xffff  }
0x8c: {  	v27 =	vld.idx.msk [tilespmem:v27+s2+$0x0], $0xffff  }
0x8d: {  	v26 =	vld.idx.msk [tilespmem:v26+s2+$0x0], $0xffff  }
0x8e: {  	v19 =	vld.idx.msk [tilespmem:v19+s2+$0x0], $0xffff  }
0x8f: {  	v1 =	vadd.f32 v23, v1;
	v18 =	vld.idx.msk [tilespmem:v18+s2+$0x0], $0xffff  }
0x90: {  	v23 =	vadd.f32 v60, v52;
	v28 =	vadd.f32 v61, v53;
	v60 =	vld [tilespmem:s19+$0x19220]  }
0x91: {  	v61 =	vld [tilespmem:s19+$0x19230]  }
0x92: {  	v53 =	vld [tilespmem:s19+$0x191A0];
	v1 =	vadd.f32 v63, v1;
	v28 =	vadd.f32 v59, v28  }
0x93: {  	v52 =	vld [tilespmem:s19+$0x191B0]  }
0x94: {  	v1 =	vadd.f32 v21, v1;
	v21 =	vadd.f32 v57, v28;
	v28 =	vld.idx.msk [tilespmem:v39+s2+$0x0], $0xffff  }
0x95: {  	v10 =	vld.idx.msk [tilespmem:v2+s2+$0x0], $0xffff  }
0x96: {  	v2 =	vld [tilespmem:$0x1FFE0]  }
0x97: {  	v23 =	vadd.f32 v58, v23;
	v58 =	vld [tilespmem:s19+$0x19200]  }
0x98: {  	v59 =	vld [tilespmem:s19+$0x19210]  }
0x99: {  	v0 =	vadd.f32 v62, v0;
	v62 =	vld [tilespmem:s19+$0x19240]  }
0x9a: {  	v63 =	vld [tilespmem:s19+$0x19250]  }
0x9b: {  	v12 =	vadd.f32 v28, v2;
	v2 =	vld [tilespmem:$0x1FFF0]  }
0x9c: {  	v0 =	vadd.f32 v20, v0;
	v20 =	vadd.f32 v55, v23;
	v23 =	vld.idx.msk [tilespmem:v40+s2+$0x0], $0xffff  }
0x9d: {  	v55 =	vld [tilespmem:s19+$0x192B0]  }
0x9e: {  	v57 =	vld [tilespmem:s19+$0x192D0]  }
0x9f: {  	v40 =	vld [tilespmem:s19+$0x19050]  }
0xa0: {  	v13 =	vadd.f32 v46, v2;
	v2 =	vld [tilespmem:$0x1FF90]  }
0xa1: {  	v39 =	vld [tilespmem:s19+$0x19060]  }
0xa2: {  	v20 =	vadd.f32 v48, v20;
	v48 =	vld.idx.msk [tilespmem:v11+s2+$0x0], $0xffff  }
0xa3: {  	v0 =	vadd.f32 v54, v0;
	v54 =	vld [tilespmem:s19+$0x192A0]  }
0xa4: {  	v1 =	vadd.f32 v56, v1;
	v56 =	vld [tilespmem:s19+$0x192C0]  }
0xa5: {  	v21 =	vadd.f32 v50, v21;
	v50 =	vld [tilespmem:s19+$0x191E0]  }
0xa6: {  	v11 =	vld [tilespmem:s19+$0x19090]  }
0xa7: {  	v1 =	vadd.f32 v49, v1;
	v49 =	vld [tilespmem:$0x1FFA0]  }
0xa8: {  	v8 =	vld.idx.msk [tilespmem:v2+s2+$0x0], $0xffff  }
0xa9: {  	v0 =	vadd.f32 v47, v0;
	v2 =	vld [tilespmem:$0x1FF60]  }
0xaa: {  	v47 =	vld [tilespmem:s19+$0x19280]  }
0xab: {  	v28 =	vld [tilespmem:s19+$0x191D0];
	v0 =	vadd.f32 v42, v0  }
0xac: {  	v42 =	vld [tilespmem:s19+$0x193B0];
	v12 =	vadd.f32 v27, v12  }
0xad: {  	v1 =	vadd.f32 v44, v1;
	v27 =	vld [tilespmem:s19+$0x190E0];
	v0 =	vadd.f32 v31, v0  }
0xae: {  	v12 =	vadd.f32 v19, v12;
	v19 =	vld [tilespmem:s19+$0x19160]  }
0xaf: {  	[tilespmem:$0x1FEE0] =	vst v0;
	v0 =	vadd.f32 v29, v1;
	v1 =	vld [tilespmem:$0x1FFD0]  }
0xb0: {  	v29 =	vld [tilespmem:s19+$0x19380]  }
0xb1: {  	v7 =	vld.idx.msk [tilespmem:v2+s2+$0x0], $0xffff  }
0xb2: {  	v2 =	vld [tilespmem:$0x1FF70]  }
0xb3: {  	v46 =	vld [tilespmem:s19+$0x19070]  }
0xb4: {  	v10 =	vadd.f32 v10, v12;
	v12 =	vld [tilespmem:s19+$0x191F0]  }
0xb5: {  	[tilespmem:$0x1FEF0] =	vst v0;
	v0 =	vld [tilespmem:$0x1FFC0];
	v13 =	vadd.f32 v26, v13  }
0xb6: {  	v26 =	vld [tilespmem:s19+$0x190F0]  }
0xb7: {  	v13 =	vadd.f32 v18, v13;
	v18 =	vld [tilespmem:s19+$0x19170]  }
0xb8: {  	v1 =	vadd.f32 v23, v1;
	v23 =	vld [tilespmem:s19+$0x19330]  }
0xb9: {  	[tilespmem:$0x1FF90] =	vst v12;
	v12 =	vld [tilespmem:s19+$0x190B0]  }
0xba: {  	v6 =	vld.idx.msk [tilespmem:v2+s2+$0x0], $0xffff  }
0xbb: {  	v2 =	vld [tilespmem:$0x1FF40]  }
0xbc: {  	v20 =	vadd.f32 v43, v20;
	v1 =	vadd.f32 v37, v1;
	v37 =	vld [tilespmem:s19+$0x190D0]  }
0xbd: {  	v0 =	vadd.f32 v41, v0;
	v41 =	vld [tilespmem:s19+$0x19040]  }
0xbe: {  	v20 =	vadd.f32 v33, v20;
	v33 =	vld.idx.msk [tilespmem:v29+s2+$0x0], $0xffff  }
0xbf: {  	v29 =	vld.idx.msk [tilespmem:v42+s2+$0x0], $0xffff  }
0xc0: {  	v1 =	vadd.f32 v35, v1;
	v35 =	vld [tilespmem:s19+$0x19150]  }
0xc1: {  	v0 =	vadd.f32 v38, v0;
	v38 =	vld [tilespmem:s19+$0x190C0]  }
0xc2: {  	v1 =	vadd.f32 v22, v1;
	v22 =	vld [tilespmem:s19+$0x19320]  }
0xc3: {  	v5 =	vld.idx.msk [tilespmem:v2+s2+$0x0], $0xffff  }
0xc4: {  	v2 =	vld [tilespmem:$0x1FF50]  }
0xc5: {  	v0 =	vadd.f32 v36, v0;
	v36 =	vld [tilespmem:s19+$0x19140]  }
0xc6: {  	v1 =	vadd.f32 v30, v1;
	v30 =	vld [tilespmem:s19+$0x19340]  }
0xc7: {  	v0 =	vadd.f32 v51, v0;
	v51 =	vld [tilespmem:s19+$0x191C0]  }
0xc8: {  	v8 =	vadd.f32 v8, v13;
	v13 =	vld [tilespmem:s19+$0x19000]  }
0xc9: {  	v44 =	vld.idx.msk [tilespmem:v23+s2+$0x0], $0xffff  }
0xca: {  	v23 =	vld.idx.msk [tilespmem:v12+s2+$0x0], $0xffff  }
0xcb: {  	v1 =	vadd.f32 v24, v1;
	v24 =	vld [tilespmem:s19+$0x19390]  }
0xcc: {  	v4 =	vld.idx.msk [tilespmem:v2+s2+$0x0], $0xffff  }
0xcd: {  	v0 =	vadd.f32 v32, v0;
	v2 =	vld [tilespmem:$0x1FF20]  }
0xce: {  	v32 =	vld [tilespmem:s19+$0x19350]  }
0xcf: {  	v0 =	vadd.f32 v25, v0;
	v25 =	vld [tilespmem:s19+$0x193A0]  }
0xd0: {  	v1 =	vadd.f32 v9, v1;
	v9 =	vld [tilespmem:s19+$0x193D0]  }
0xd1: {  	v0 =	vadd.f32 v17, v0;
	v17 =	vld [tilespmem:s19+$0x193C0]  }
0xd2: {  	v42 =	vld.idx.msk [tilespmem:v22+s2+$0x0], $0xffff  }
0xd3: {  	v0 =	vadd.f32 v49, v0;
	v49 =	vld [tilespmem:s19+$0x19290]  }
0xd4: {  	v7 =	vadd.f32 v7, v10;
	v10 =	vld [tilespmem:s19+$0x190A0]  }
0xd5: {  	v3 =	vld.idx.msk [tilespmem:v2+s2+$0x0], $0xffff  }
0xd6: {  	v2 =	vld [tilespmem:$0x1FF30]  }
0xd7: {  	v51 =	vld.idx.msk [tilespmem:v51+s2+$0x0], $0xffff  }
0xd8: {  	v21 =	vadd.f32 v45, v21;
	v6 =	vadd.f32 v6, v8;
	v8 =	vld [tilespmem:$0x1FF10]  }
0xd9: {  	[tilespmem:$0x1FFC0] =	vst v0;
	v0 =	vld [tilespmem:$0x1FFB0]  }
0xda: {  	v21 =	vadd.f32 v34, v21;
	v34 =	vld.idx.msk [tilespmem:v24+s2+$0x0], $0xffff  }
0xdb: {  	v24 =	vld.idx.msk [tilespmem:v57+s2+$0x0], $0xffff  }
0xdc: {  	v57 =	vld.idx.msk [tilespmem:v59+s2+$0x0], $0xffff  }
0xdd: {  	v31 =	vld.idx.msk [tilespmem:v25+s2+$0x0], $0xffff  }
0xde: {  	v2 =	vld.idx.msk [tilespmem:v2+s2+$0x0], $0xffff  }
0xdf: {  	v9 =	vld.idx.msk [tilespmem:v9+s2+$0x0], $0xffff;
	v5 =	vadd.f32 v5, v7  }
0xe0: {  	v0 =	vadd.f32 v0, v1;
	v8 =	vld.idx.msk [tilespmem:v8+s2+$0x0], $0xffff  }
0xe1: {  	v25 =	vld.idx.msk [tilespmem:v56+s2+$0x0], $0xffff;
	v4 =	vadd.f32 v4, v6;
	v3 =	vadd.f32 v3, v5  }
0xe2: {  	v56 =	vld.idx.msk [tilespmem:v61+s2+$0x0], $0xffff  }
0xe3: {  	v17 =	vld.idx.msk [tilespmem:v17+s2+$0x0], $0xffff;
	[tilespmem:$0x1FFD0] =	vst v0;
	v0 =	vadd.f32 v48, v3;
	v2 =	vadd.f32 v2, v4  }
0xe4: {  	v1 =	vld [tilespmem:s19+$0x19310]  }
0xe5: {  	[tilespmem:$0x1FFE0] =	vst v0;
	v0 =	vadd.f32 v8, v2;
	v2 =	vld [tilespmem:s19+$0x19360]  }
0xe6: {  	[tilespmem:$0x1FF80] =	vst v50;
	v50 =	vld.idx.msk [tilespmem:v49+s2+$0x0], $0xffff  }
0xe7: {  	v49 =	vld.idx.msk [tilespmem:v55+s2+$0x0], $0xffff  }
0xe8: {  	v55 =	vld.idx.msk [tilespmem:v58+s2+$0x0], $0xffff  }
0xe9: {  	v22 =	vld.idx.msk [tilespmem:v10+s2+$0x0], $0xffff  }
0xea: {  	[tilespmem:$0x1FF20] =	vst v2;
	v2 =	vld [tilespmem:s19+$0x19370]  }
0xeb: {  	[tilespmem:$0x1FFB0] =	vst v9;
	v9 =	vld.idx.msk [tilespmem:v32+s2+$0x0], $0xffff  }
0xec: {  	v32 =	vld.idx.msk [tilespmem:v62+s2+$0x0], $0xffff  }
0xed: {  	v45 =	vld.idx.msk [tilespmem:v1+s2+$0x0], $0xffff  }
0xee: {  	v1 =	vld.idx.msk [tilespmem:v14+s2+$0x0], $0xffff  }
0xef: {  	[tilespmem:$0x1FF30] =	vst v2;
	v2 =	vld [tilespmem:s19+$0x192E0]  }
0xf0: {  	[tilespmem:$0x1FFA0] =	vst v17;
	v17 =	vld.idx.msk [tilespmem:v30+s2+$0x0], $0xffff  }
0xf1: {  	v7 =	vld [tilespmem:s19+$0x19130]  }
0xf2: {  	[tilespmem:$0x1FFF0] =	vst v0;
	v0 =	vld [tilespmem:s19+$0x193E0]  }
0xf3: {  	v14 =	vadd.f32 v1, v21;
	v1 =	vld [tilespmem:$0x1FEF0]  }
0xf4: {  	[tilespmem:$0x1FF40] =	vst v2;
	v2 =	vld [tilespmem:s19+$0x192F0]  }
0xf5: {  	v6 =	vld [tilespmem:s19+$0x19120]  }
0xf6: {  	v5 =	vld [tilespmem:s19+$0x19110]  }
0xf7: {  	[tilespmem:$0x1FF00] =	vst v0;
	v0 =	vld [tilespmem:s19+$0x193F0]  }
0xf8: {  	v3 =	vld [tilespmem:s19+$0x19190]  }
0xf9: {  	[tilespmem:$0x1FF50] =	vst v2;
	v2 =	vld [tilespmem:s19+$0x19260]  }
0xfa: {  	v48 =	vld.idx.msk [tilespmem:v47+s2+$0x0], $0xffff  }
0xfb: {  	v47 =	vld.idx.msk [tilespmem:v54+s2+$0x0], $0xffff  }
0xfc: {  	[tilespmem:$0x1FF10] =	vst v0;
	v0 =	vld [tilespmem:s19+$0x19300]  }
0xfd: {  	v54 =	vld.idx.msk [tilespmem:v60+s2+$0x0], $0xffff  }
0xfe: {  	[tilespmem:$0x1FF60] =	vst v2;
	v2 =	vld [tilespmem:s19+$0x19270]  }
0xff: {  	v4 =	vld [tilespmem:s19+$0x19100]  }
0x100: {  	v61 =	vld.idx.msk [tilespmem:v5+s2+$0x0], $0xffff  }
0x101: {  	v5 =	vld.idx.msk [tilespmem:v16+s2+$0x0], $0xffff  }
0x102: {  	v8 =	vld [tilespmem:s19+$0x19080]  }
0x103: {  	[tilespmem:$0x1FF70] =	vst v2;
	v2 =	vld [tilespmem:s19+$0x19180]  }
0x104: {  	v43 =	vld.idx.msk [tilespmem:v0+s2+$0x0], $0xffff  }
0x105: {  	v0 =	vld.idx.msk [tilespmem:v13+s2+$0x0], $0xffff  }
0x106: {  	v59 =	vld.idx.msk [tilespmem:v3+s2+$0x0], $0xffff  }
0x107: {  	v3 =	vld.idx.msk [tilespmem:v11+s2+$0x0], $0xffff  }
0x108: {  	v60 =	vld.idx.msk [tilespmem:v4+s2+$0x0], $0xffff  }
0x109: {  	v4 =	vld.idx.msk [tilespmem:v15+s2+$0x0], $0xffff  }
0x10a: {  	v13 =	vadd.f32 v0, v20;
	v0 =	vld [tilespmem:$0x1FEE0]  }
0x10b: {  	v58 =	vld.idx.msk [tilespmem:v2+s2+$0x0], $0xffff  }
0x10c: {  	p0 =	sne.s32 s18, $0x18000;
	v2 =	vld.idx.msk [tilespmem:v8+s2+$0x0], $0xffff  }
.Ltmp0:
0x10d: {  	v30 =	vld.idx.msk [tilespmem:v63+s2+$0x0], $0xffff;
	(pc) =	sbr.rel @p0 .LBB2_2-.Ltmp0, $4  }
0x10e: {  	v21 =	vld.idx.msk [tilespmem:v52+s2+$0x0], $0xffff  }
0x10f: {  	v63 =	vld.idx.msk [tilespmem:v7+s2+$0x0], $0xffff  }
0x110: {  	v1 =	vadd.f32 v5, v1;
	v20 =	vld.idx.msk [tilespmem:v53+s2+$0x0], $0xffff;
	v53 =	vadd.f32 v3, v14  }
0x111: {  	s18 =	sadd.s32 $0x1000, s18;
	v62 =	vld.idx.msk [tilespmem:v6+s2+$0x0], $0xffff;
	v0 =	vadd.f32 v4, v0;
	v52 =	vadd.f32 v2, v13  }
0x112: {  	_ =	sdelay $0x3  }
0x113: {  	v10 =	vld.idx.msk [tilespmem:v41+s2+$0x0], $0xffff  }
0x114: {  	v16 =	vld.idx.msk [tilespmem:v19+s2+$0x0], $0xffff  }
0x115: {  	v19 =	vld [tilespmem:$0x1FFC0]  }
0x116: {  	v2 =	vld.idx.msk [tilespmem:v28+s2+$0x0], $0xffff  }
0x117: {  	v7 =	vld.idx.msk [tilespmem:v38+s2+$0x0], $0xffff  }
0x118: {  	v5 =	vld.idx.msk [tilespmem:v36+s2+$0x0], $0xffff  }
0x119: {  	v6 =	vld.idx.msk [tilespmem:v35+s2+$0x0], $0xffff  }
0x11a: {  	v8 =	vld.idx.msk [tilespmem:v37+s2+$0x0], $0xffff;
	v10 =	vadd.f32 v10, v19  }
0x11b: {  	v13 =	vld.idx.msk [tilespmem:v46+s2+$0x0], $0xffff  }
0x11c: {  	v7 =	vadd.f32 v7, v10;
	v10 =	vld [tilespmem:$0x1FFF0]  }
0x11d: {  	v4 =	vadd.f32 v61, v53;
	v11 =	vld.idx.msk [tilespmem:v40+s2+$0x0], $0xffff  }
0x11e: {  	v15 =	vld.idx.msk [tilespmem:v26+s2+$0x0], $0xffff  }
0x11f: {  	v12 =	vld.idx.msk [tilespmem:v39+s2+$0x0], $0xffff;
	v4 =	vadd.f32 v59, v4  }
0x120: {  	v14 =	vld.idx.msk [tilespmem:v27+s2+$0x0], $0xffff;
	v3 =	vadd.f32 v60, v52  }
0x121: {  	v4 =	vadd.f32 v57, v4;
	v57 =	vld [tilespmem:$0x1FF90];
	v10 =	vadd.f32 v13, v10  }
0x122: {  	v19 =	vld [tilespmem:$0x1FFD0]  }
0x123: {  	v3 =	vadd.f32 v58, v3;
	v58 =	vadd.f32 v15, v10;
	v10 =	vld [tilespmem:$0x1FF70]  }
0x124: {  	v1 =	vadd.f32 v23, v1;
	v18 =	vld.idx.msk [tilespmem:v18+s2+$0x0], $0xffff;
	v0 =	vadd.f32 v22, v0  }
0x125: {  	v61 =	vld [tilespmem:$0x1FF30]  }
0x126: {  	v1 =	vadd.f32 v63, v1;
	v59 =	vld [tilespmem:$0x1FF50];
	v0 =	vadd.f32 v62, v0  }
0x127: {  	v11 =	vadd.f32 v11, v19;
	v19 =	vld [tilespmem:$0x1FF80]  }
0x128: {  	v1 =	vadd.f32 v21, v1;
	v0 =	vadd.f32 v20, v0;
	v20 =	vld [tilespmem:$0x1FFE0]  }
0x129: {  	v3 =	vadd.f32 v55, v3;
	v13 =	vld.idx.msk [tilespmem:v57+s2+$0x0], $0xffff  }
0x12a: {  	v1 =	vadd.f32 v56, v1;
	v8 =	vadd.f32 v8, v11;
	v11 =	vld [tilespmem:$0x1FF60]  }
0x12b: {  	v4 =	vadd.f32 v50, v4;
	v5 =	vadd.f32 v5, v7;
	v10 =	vld.idx.msk [tilespmem:v10+s2+$0x0], $0xffff  }
0x12c: {  	v6 =	vadd.f32 v6, v8;
	v8 =	vld [tilespmem:$0x1FF40];
	v7 =	vadd.f32 v18, v58  }
0x12d: {  	v60 =	vld [tilespmem:$0x1FF20];
	v3 =	vadd.f32 v48, v3;
	v0 =	vadd.f32 v54, v0  }
0x12e: {  	v1 =	vadd.f32 v49, v1;
	v15 =	vld [tilespmem:$0x1FF00];
	v7 =	vadd.f32 v13, v7  }
0x12f: {  	v4 =	vadd.f32 v45, v4;
	v12 =	vadd.f32 v12, v20;
	v19 =	vld.idx.msk [tilespmem:v19+s2+$0x0], $0xffff  }
0x130: {  	v3 =	vadd.f32 v43, v3;
	v7 =	vadd.f32 v10, v7;
	v10 =	vld [tilespmem:$0x1FF10]  }
0x131: {  	v63 =	vld [tilespmem:$0x1FFA0];
	v0 =	vadd.f32 v47, v0;
	v12 =	vadd.f32 v14, v12  }
0x132: {  	v1 =	vadd.f32 v44, v1;
	v4 =	vadd.f32 v34, v4;
	v11 =	vld.idx.msk [tilespmem:v11+s2+$0x0], $0xffff  }
0x133: {  	v3 =	vadd.f32 v33, v3;
	v14 =	vld.idx.msk [tilespmem:v59+s2+$0x0], $0xffff;
	v12 =	vadd.f32 v16, v12  }
0x134: {  	v5 =	vadd.f32 v51, v5;
	v0 =	vadd.f32 v42, v0;
	v8 =	vld.idx.msk [tilespmem:v8+s2+$0x0], $0xffff  }
0x135: {  	v1 =	vadd.f32 v29, v1;
	v13 =	vld.idx.msk [tilespmem:v61+s2+$0x0], $0xffff;
	v12 =	vadd.f32 v19, v12  }
0x136: {  	v5 =	vadd.f32 v32, v5;
	v2 =	vadd.f32 v2, v6;
	v6 =	vld.idx.msk [tilespmem:v60+s2+$0x0], $0xffff  }
0x137: {  	v0 =	vadd.f32 v31, v0;
	v15 =	vld.idx.msk [tilespmem:v15+s2+$0x0], $0xffff;
	v11 =	vadd.f32 v11, v12  }
0x138: {  	v5 =	vadd.f32 v25, v5;
	v10 =	vld.idx.msk [tilespmem:v10+s2+$0x0], $0xffff;
	[tilespmem:$0x1F400] =	vst v3;
	v3 =	vadd.f32 v14, v7  }
0x139: {  	v2 =	vadd.f32 v30, v2;
	v8 =	vadd.f32 v8, v11  }
0x13a: {  	v5 =	vadd.f32 v17, v5;
	[tilespmem:$0x1F420] =	vst v0;
	v0 =	vadd.f32 v13, v3;
	v3 =	vld [tilespmem:$0x1FFB0]  }
0x13b: {  	v2 =	vadd.f32 v24, v2;
	v62 =	vadd.f32 v6, v8  }
0x13c: {  	v5 =	vadd.f32 v63, v5;
	[tilespmem:$0x1F410] =	vst v4  }
0x13d: {  	v2 =	vadd.f32 v9, v2;
	[tilespmem:$0x1F430] =	vst v1;
	v1 =	vadd.f32 v15, v62  }
0x13e: {  	[tilespmem:$0x1F440] =	vst v5;
	v0 =	vadd.f32 v10, v0  }
0x13f: {  	[tilespmem:$0x1F460] =	vst v1;
	v2 =	vadd.f32 v3, v2  }
0x140: {  	[tilespmem:$0x1F470] =	vst v0  }
0x141: {  	[tilespmem:$0x1F450] =	vst v2  }
0x142: {  	[tilespmem:s10], [sflag:$0x3] =	stream.strided.gather [hbm4b:s4+s8], $0x6400, s9, s8, $0x38;
	[tilespmem:$0x1F500] =	vst v63  }
0x143: {  	_ =	swait.ge [sflag:s13], $0x6400  }
0x144: {  	[sflag:s13] =	ssyncset.done $0x0  }
0x145: {  	s18 =	simm.s32 $0x0;
	[sflag:s13] =	ssyncadd.s32 $0xFFFF9C00  }
0x146: {  	v29 =	vld [tilespmem:s18+$0x19380]  }
0x147: {  	v31 =	vld [tilespmem:s18+$0x19390]  }
0x148: {  	v9 =	vld [tilespmem:s18+$0x193A0]  }
0x149: {  	v10 =	vld [tilespmem:s18+$0x193B0]  }
0x14a: {  	v42 =	vld [tilespmem:s18+$0x193C0]  }
0x14b: {  	v43 =	vld [tilespmem:s18+$0x193D0]  }
0x14c: {  	v0 =	vld [tilespmem:s18+$0x193E0]  }
0x14d: {  	v44 =	vld [tilespmem:s18+$0x19300]  }
0x14e: {  	v45 =	vld [tilespmem:s18+$0x19310]  }
0x14f: {  	v16 =	vld [tilespmem:s18+$0x19320]  }
0x150: {  	v17 =	vld [tilespmem:s18+$0x19330]  }
0x151: {  	v47 =	vld [tilespmem:s18+$0x19340]  }
0x152: {  	v48 =	vld [tilespmem:s18+$0x19350]  }
0x153: {  	v49 =	vld [tilespmem:s18+$0x19280]  }
0x154: {  	v50 =	vld [tilespmem:s18+$0x19290]  }
0x155: {  	v24 =	vld [tilespmem:s18+$0x192A0]  }
0x156: {  	v25 =	vld [tilespmem:s18+$0x192B0]  }
0x157: {  	v30 =	vld [tilespmem:s18+$0x192C0]  }
0x158: {  	v32 =	vld [tilespmem:s18+$0x192D0]  }
0x159: {  	v46 =	vld [tilespmem:s18+$0x19200]  }
0x15a: {  	v51 =	vld [tilespmem:s18+$0x19210]  }
0x15b: {  	v52 =	vld [tilespmem:s18+$0x19220]  }
0x15c: {  	v53 =	vld [tilespmem:s18+$0x19230]  }
0x15d: {  	v58 =	vld [tilespmem:s18+$0x19240]  }
0x15e: {  	v59 =	vld [tilespmem:s18+$0x19250]  }
0x15f: {  	v60 =	vld [tilespmem:s18+$0x19180]  }
0x160: {  	v61 =	vld [tilespmem:s18+$0x19190]  }
0x161: {  	v4 =	vld [tilespmem:s18+$0x191A0]  }
0x162: {  	v3 =	vld [tilespmem:s18+$0x191B0]  }
0x163: {  	v2 =	vld [tilespmem:s18+$0x191C0]  }
0x164: {  	v28 =	vld [tilespmem:s18+$0x191D0]  }
0x165: {  	v62 =	vld [tilespmem:s18+$0x19100]  }
0x166: {  	v63 =	vld [tilespmem:s18+$0x19110]  }
0x167: {  	v5 =	vld [tilespmem:s18+$0x19120]  }
0x168: {  	v1 =	vld [tilespmem:s18+$0x19130]  }
0x169: {  	v36 =	vld [tilespmem:s18+$0x19140]  }
0x16a: {  	v34 =	vld [tilespmem:s18+$0x19150]  }
0x16b: {  	v19 =	vld [tilespmem:s18+$0x19160]  }
0x16c: {  	v18 =	vld [tilespmem:s18+$0x19170]  }
0x16d: {  	v11 =	vld [tilespmem:s18+$0x19080]  }
0x16e: {  	v6 =	vld [tilespmem:s18+$0x19090]  }
0x16f: {  	v7 =	vld [tilespmem:s18+$0x190A0]  }
0x170: {  	[tilespmem:$0x1FDF0] =	vst v0;
	v0 =	vld [tilespmem:s18+$0x193F0]  }
0x171: {  	v15 =	vld [tilespmem:s18+$0x190B0]  }
0x172: {  	v38 =	vld [tilespmem:s18+$0x190C0]  }
0x173: {  	v37 =	vld [tilespmem:s18+$0x190D0]  }
0x174: {  	v27 =	vld [tilespmem:s18+$0x190E0]  }
0x175: {  	[tilespmem:$0x1FE00] =	vst v0;
	v0 =	vld [tilespmem:s18+$0x19360]  }
0x176: {  	v26 =	vld [tilespmem:s18+$0x190F0]  }
0x177: {  	v20 =	vld [tilespmem:s18+$0x19000]  }
0x178: {  	v21 =	vld [tilespmem:s18+$0x19010]  }
0x179: {  	v22 =	vld [tilespmem:s18+$0x19020]  }
0x17a: {  	[tilespmem:$0x1FE10] =	vst v0;
	v0 =	vld [tilespmem:s18+$0x19370]  }
0x17b: {  	v23 =	vld [tilespmem:s18+$0x19030]  }
0x17c: {  	v41 =	vld [tilespmem:s18+$0x19040]  }
0x17d: {  	v40 =	vld [tilespmem:s18+$0x19050]  }
0x17e: {  	v39 =	vld [tilespmem:s18+$0x19060]  }
0x17f: {  	[tilespmem:$0x1FE20] =	vst v0;
	v0 =	vld [tilespmem:s18+$0x192E0]  }
0x180: {  	v33 =	vld.idx.msk [tilespmem:v29+s2+$0x0], $0xffff  }
0x181: {  	v35 =	vld.idx.msk [tilespmem:v31+s2+$0x0], $0xffff  }
0x182: {  	v31 =	vld.idx.msk [tilespmem:v9+s2+$0x0], $0xffff  }
0x183: {  	v29 =	vld.idx.msk [tilespmem:v10+s2+$0x0], $0xffff  }
0x184: {  	[tilespmem:$0x1FE30] =	vst v0;
	v0 =	vld [tilespmem:s18+$0x192F0]  }
0x185: {  	v45 =	vld.idx.msk [tilespmem:v45+s2+$0x0], $0xffff  }
0x186: {  	v9 =	vld.idx.msk [tilespmem:v48+s2+$0x0], $0xffff  }
0x187: {  	v48 =	vld.idx.msk [tilespmem:v49+s2+$0x0], $0xffff  }
0x188: {  	v50 =	vld.idx.msk [tilespmem:v50+s2+$0x0], $0xffff  }
0x189: {  	[tilespmem:$0x1FE40] =	vst v0;
	v0 =	vld [tilespmem:s18+$0x19260]  }
0x18a: {  	v49 =	vld.idx.msk [tilespmem:v25+s2+$0x0], $0xffff  }
0x18b: {  	v25 =	vld.idx.msk [tilespmem:v30+s2+$0x0], $0xffff  }
0x18c: {  	v55 =	vld.idx.msk [tilespmem:v46+s2+$0x0], $0xffff  }
0x18d: {  	v57 =	vld.idx.msk [tilespmem:v51+s2+$0x0], $0xffff  }
0x18e: {  	[tilespmem:$0x1FE50] =	vst v0;
	v0 =	vld [tilespmem:s18+$0x19270]  }
0x18f: {  	v54 =	vld.idx.msk [tilespmem:v52+s2+$0x0], $0xffff  }
0x190: {  	v56 =	vld.idx.msk [tilespmem:v53+s2+$0x0], $0xffff  }
0x191: {  	v30 =	vld.idx.msk [tilespmem:v59+s2+$0x0], $0xffff  }
0x192: {  	v59 =	vld.idx.msk [tilespmem:v61+s2+$0x0], $0xffff  }
0x193: {  	[tilespmem:$0x1FE60] =	vst v0;
	v0 =	vld [tilespmem:s18+$0x191E0]  }
0x194: {  	v61 =	vld.idx.msk [tilespmem:v63+s2+$0x0], $0xffff  }
0x195: {  	v51 =	vld.idx.msk [tilespmem:v11+s2+$0x0], $0xffff  }
0x196: {  	v13 =	vld.idx.msk [tilespmem:v6+s2+$0x0], $0xffff  }
0x197: {  	v20 =	vld.idx.msk [tilespmem:v20+s2+$0x0], $0xffff  }
0x198: {  	[tilespmem:$0x1FE70] =	vst v0;
	v0 =	vld [tilespmem:s18+$0x191F0]  }
0x199: {  	v21 =	vld.idx.msk [tilespmem:v21+s2+$0x0], $0xffff  }
0x19a: {  	v6 =	vld.idx.msk [tilespmem:v22+s2+$0x0], $0xffff  }
0x19b: {  	v22 =	vld.idx.msk [tilespmem:v7+s2+$0x0], $0xffff  }
0x19c: {  	v63 =	vld.idx.msk [tilespmem:v1+s2+$0x0], $0xffff  }
0x19d: {  	[tilespmem:$0x1FE80] =	vst v0;
	v0 =	vld.idx.msk [tilespmem:v42+s2+$0x0], $0xffff  }
0x19e: {  	v42 =	vld.idx.msk [tilespmem:v16+s2+$0x0], $0xffff;
	v16 =	vimm.f32 $0.0e+00  }
0x19f: {  	v46 =	vld [tilespmem:s18+$0x19070];
	v1 =	vadd.f32 v20, v16  }
0x1a0: {  	v20 =	vld.idx.msk [tilespmem:v4+s2+$0x0], $0xffff  }
0x1a1: {  	v52 =	vadd.f32 v51, v1;
	v51 =	vld.idx.msk [tilespmem:v2+s2+$0x0], $0xffff  }
0x1a2: {  	[tilespmem:$0x1FE90] =	vst v0;
	v0 =	vld.idx.msk [tilespmem:v43+s2+$0x0], $0xffff  }
0x1a3: {  	v43 =	vld.idx.msk [tilespmem:v44+s2+$0x0], $0xffff  }
0x1a4: {  	v44 =	vld.idx.msk [tilespmem:v17+s2+$0x0], $0xffff  }
0x1a5: {  	v17 =	vld.idx.msk [tilespmem:v47+s2+$0x0], $0xffff  }
0x1a6: {  	v47 =	vld.idx.msk [tilespmem:v24+s2+$0x0], $0xffff  }
0x1a7: {  	v24 =	vld.idx.msk [tilespmem:v32+s2+$0x0], $0xffff  }
0x1a8: {  	v32 =	vld.idx.msk [tilespmem:v58+s2+$0x0], $0xffff  }
0x1a9: {  	[tilespmem:$0x1FEA0] =	vst v0;
	v0 =	vld.idx.msk [tilespmem:v23+s2+$0x0], $0xffff  }
0x1aa: {  	v58 =	vld.idx.msk [tilespmem:v60+s2+$0x0], $0xffff  }
0x1ab: {  	v2 =	vimm.f32 $0.0e+00;
	v60 =	vld.idx.msk [tilespmem:v62+s2+$0x0], $0xffff  }
0x1ac: {  	v7 =	vadd.f32 v21, v16;
	[tilespmem:$0x1FEB0] =	vst v2;
	v2 =	vimm.f32 $0.0e+00;
	v23 =	vld.idx.msk [tilespmem:v15+s2+$0x0], $0xffff  }
0x1ad: {  	v53 =	vadd.f32 v6, v16;
	v62 =	vld.idx.msk [tilespmem:v5+s2+$0x0], $0xffff;
	[tilespmem:$0x1FEC0] =	vst v2;
	v2 =	vimm.f32 $0.0e+00  }
0x1ae: {  	s18 =	simm.s32 $0x1000;
	v21 =	vld.idx.msk [tilespmem:v3+s2+$0x0], $0xffff;
	v1 =	vadd.f32 v13, v7;
	[tilespmem:$0x1FED0] =	vst v2;
	v0 =	vadd.f32 v0, v16  }
.LBB2_4:
0x1af: {  	_ = 	snop  }
0x1b0: {  	v22 =	vadd.f32 v22, v53  }
0x1b1: {  	v0 =	vadd.f32 v23, v0;
	v23 =	vld.idx.msk [tilespmem:v28+s2+$0x0], $0xffff;
	v28 =	vadd.f32 v60, v52  }
0x1b2: {  	v22 =	vadd.f32 v62, v22  }
0x1b3: {  	v0 =	vadd.f32 v63, v0;
	v28 =	vadd.f32 v58, v28  }
0x1b4: {  	v20 =	vadd.f32 v20, v22  }
0x1b5: {  	v0 =	vadd.f32 v21, v0;
	v21 =	vadd.f32 v55, v28;
	_ =	sdelay $0x1  }
0x1b6: {  	v20 =	vadd.f32 v54, v20;
	v21 =	vadd.f32 v48, v21;
	_ =	sdelay $0x1  }
0x1b7: {  	v20 =	vadd.f32 v47, v20;
	v21 =	vadd.f32 v43, v21;
	_ =	sdelay $0x1  }
0x1b8: {  	v7 =	vld.idx.msk [tilespmem:v46+s2+$0x0], $0xffff;
	v46 =	vadd.f32 v42, v20;
	v2 =	vadd.f32 v33, v21;
	_ =	sdelay $0x1  }
0x1b9: {  	[tilespmem:$0x1FDC0] =	vst v2;
	v2 =	vadd.f32 v31, v46  }
0x1ba: {  	v28 =	vld.idx.msk [tilespmem:v40+s2+$0x0], $0xffff  }
0x1bb: {  	[tilespmem:$0x1FDD0] =	vst v2;
	v2 =	vld [tilespmem:$0x1FEB0];
	_ =	sdelay $0x1  }
0x1bc: {  	v10 =	vld [tilespmem:$0x1FDF0];
	s19 =	sshra.s32 s18, $0x2  }
0x1bd: {  	v15 =	vld [tilespmem:s19+$0x19020]  }
0x1be: {  	v36 =	vld.idx.msk [tilespmem:v36+s2+$0x0], $0xffff  }
0x1bf: {  	v11 =	vadd.f32 v28, v2;
	v2 =	vld [tilespmem:$0x1FE70]  }
0x1c0: {  	v34 =	vld.idx.msk [tilespmem:v34+s2+$0x0], $0xffff  }
0x1c1: {  	v38 =	vld.idx.msk [tilespmem:v38+s2+$0x0], $0xffff  }
0x1c2: {  	v37 =	vld.idx.msk [tilespmem:v37+s2+$0x0], $0xffff  }
0x1c3: {  	v39 =	vld.idx.msk [tilespmem:v39+s2+$0x0], $0xffff  }
0x1c4: {  	v27 =	vld.idx.msk [tilespmem:v27+s2+$0x0], $0xffff  }
0x1c5: {  	v26 =	vld.idx.msk [tilespmem:v26+s2+$0x0], $0xffff  }
0x1c6: {  	v19 =	vld.idx.msk [tilespmem:v19+s2+$0x0], $0xffff  }
0x1c7: {  	v12 =	vld.idx.msk [tilespmem:v2+s2+$0x0], $0xffff  }
0x1c8: {  	v2 =	vld [tilespmem:$0x1FEC0]  }
0x1c9: {  	v60 =	vld [tilespmem:s19+$0x19220]  }
0x1ca: {  	v1 =	vadd.f32 v61, v1;
	v61 =	vld [tilespmem:s19+$0x19230]  }
0x1cb: {  	v53 =	vld [tilespmem:s19+$0x191A0]  }
0x1cc: {  	v52 =	vld [tilespmem:s19+$0x191B0]  }
0x1cd: {  	v14 =	vadd.f32 v39, v2;
	v2 =	vld [tilespmem:$0x1FED0]  }
0x1ce: {  	v58 =	vld [tilespmem:s19+$0x19200]  }
0x1cf: {  	v1 =	vadd.f32 v59, v1;
	v59 =	vld [tilespmem:s19+$0x19210]  }
0x1d0: {  	v62 =	vld [tilespmem:s19+$0x19240]  }
0x1d1: {  	v63 =	vld [tilespmem:s19+$0x19250]  }
0x1d2: {  	v13 =	vadd.f32 v7, v2;
	v2 =	vld [tilespmem:$0x1FE80]  }
0x1d3: {  	v22 =	vld.idx.msk [tilespmem:v41+s2+$0x0], $0xffff  }
0x1d4: {  	v55 =	vld [tilespmem:s19+$0x192B0]  }
0x1d5: {  	v1 =	vadd.f32 v57, v1;
	v57 =	vld [tilespmem:s19+$0x192D0]  }
0x1d6: {  	v41 =	vld [tilespmem:s19+$0x19040]  }
0x1d7: {  	v40 =	vld [tilespmem:s19+$0x19050]  }
0x1d8: {  	v48 =	vld [tilespmem:$0x1FE00]  }
0x1d9: {  	v54 =	vld [tilespmem:s19+$0x192A0]  }
0x1da: {  	v8 =	vld.idx.msk [tilespmem:v2+s2+$0x0], $0xffff  }
0x1db: {  	v2 =	vld [tilespmem:$0x1FE50]  }
0x1dc: {  	v0 =	vadd.f32 v56, v0;
	v1 =	vadd.f32 v50, v1;
	v56 =	vld [tilespmem:s19+$0x192C0]  }
0x1dd: {  	v50 =	vld [tilespmem:s19+$0x191E0]  }
0x1de: {  	v1 =	vadd.f32 v45, v1;
	v47 =	vld.idx.msk [tilespmem:v10+s2+$0x0], $0xffff  }
0x1df: {  	v10 =	vld [tilespmem:s19+$0x19090]  }
0x1e0: {  	v0 =	vadd.f32 v49, v0;
	v21 =	vadd.f32 v35, v1;
	v1 =	vld.idx.msk [tilespmem:v18+s2+$0x0], $0xffff  }
0x1e1: {  	v42 =	vld [tilespmem:s19+$0x193B0]  }
0x1e2: {  	v0 =	vadd.f32 v44, v0;
	v18 =	vld [tilespmem:s19+$0x19170]  }
0x1e3: {  	v7 =	vld.idx.msk [tilespmem:v2+s2+$0x0], $0xffff  }
0x1e4: {  	v0 =	vadd.f32 v29, v0;
	v2 =	vld [tilespmem:$0x1FE60]  }
0x1e5: {  	v29 =	vld [tilespmem:s19+$0x19380]  }
0x1e6: {  	v46 =	vld [tilespmem:s19+$0x19070];
	[tilespmem:$0x1FDE0] =	vst v0;
	v0 =	vadd.f32 v22, v16  }
0x1e7: {  	v22 =	vld [tilespmem:s19+$0x19320]  }
0x1e8: {  	v16 =	vld [tilespmem:s19+$0x19030];
	v0 =	vadd.f32 v38, v0  }
0x1e9: {  	v38 =	vld [tilespmem:s19+$0x190C0]  }
0x1ea: {  	v0 =	vadd.f32 v36, v0;
	v36 =	vld [tilespmem:s19+$0x19140]  }
0x1eb: {  	v28 =	vld [tilespmem:s19+$0x191D0]  }
0x1ec: {  	v6 =	vld.idx.msk [tilespmem:v2+s2+$0x0], $0xffff  }
0x1ed: {  	v2 =	vld [tilespmem:$0x1FE30]  }
0x1ee: {  	v0 =	vadd.f32 v51, v0;
	v51 =	vld [tilespmem:s19+$0x191C0]  }
0x1ef: {  	v33 =	vld.idx.msk [tilespmem:v29+s2+$0x0], $0xffff  }
0x1f0: {  	v29 =	vld.idx.msk [tilespmem:v42+s2+$0x0], $0xffff  }
0x1f1: {  	v11 =	vadd.f32 v37, v11;
	v37 =	vld [tilespmem:s19+$0x190D0]  }
0x1f2: {  	v0 =	vadd.f32 v32, v0;
	v32 =	vld [tilespmem:s19+$0x19350]  }
0x1f3: {  	v42 =	vld.idx.msk [tilespmem:v22+s2+$0x0], $0xffff  }
0x1f4: {  	v0 =	vadd.f32 v25, v0;
	v25 =	vld [tilespmem:s19+$0x193A0]  }
0x1f5: {  	v5 =	vld.idx.msk [tilespmem:v2+s2+$0x0], $0xffff  }
0x1f6: {  	v11 =	vadd.f32 v34, v11;
	v2 =	vld [tilespmem:$0x1FE40]  }
0x1f7: {  	v34 =	vld [tilespmem:s19+$0x19150]  }
0x1f8: {  	v11 =	vadd.f32 v23, v11;
	v23 =	vld [tilespmem:s19+$0x19330]  }
0x1f9: {  	v0 =	vadd.f32 v17, v0;
	v17 =	vld [tilespmem:s19+$0x193C0]  }
0x1fa: {  	v51 =	vld.idx.msk [tilespmem:v51+s2+$0x0], $0xffff  }
0x1fb: {  	v39 =	vld [tilespmem:s19+$0x19060]  }
0x1fc: {  	v31 =	vld.idx.msk [tilespmem:v25+s2+$0x0], $0xffff  }
0x1fd: {  	v25 =	vld.idx.msk [tilespmem:v56+s2+$0x0], $0xffff  }
0x1fe: {  	v4 =	vld.idx.msk [tilespmem:v2+s2+$0x0], $0xffff  }
0x1ff: {  	v2 =	vld [tilespmem:$0x1FE10]  }
0x200: {  	v56 =	vld.idx.msk [tilespmem:v61+s2+$0x0], $0xffff  }
0x201: {  	v44 =	vld.idx.msk [tilespmem:v23+s2+$0x0], $0xffff;
	v14 =	vadd.f32 v27, v14  }
0x202: {  	v27 =	vld [tilespmem:s19+$0x190E0]  }
0x203: {  	v17 =	vld.idx.msk [tilespmem:v17+s2+$0x0], $0xffff;
	v14 =	vadd.f32 v19, v14  }
0x204: {  	v19 =	vld [tilespmem:s19+$0x19160]  }
0x205: {  	v12 =	vadd.f32 v12, v14;
	v14 =	vld [tilespmem:s19+$0x19010];
	v13 =	vadd.f32 v26, v13  }
0x206: {  	v26 =	vld [tilespmem:s19+$0x190F0]  }
0x207: {  	v1 =	vadd.f32 v1, v13;
	v3 =	vld.idx.msk [tilespmem:v2+s2+$0x0], $0xffff  }
0x208: {  	v2 =	vld [tilespmem:$0x1FE20]  }
0x209: {  	v13 =	vld [tilespmem:s19+$0x19000];
	v1 =	vadd.f32 v8, v1;
	v8 =	vadd.f32 v30, v11  }
0x20a: {  	v11 =	vld [tilespmem:s19+$0x190A0]  }
0x20b: {  	v8 =	vadd.f32 v24, v8;
	v24 =	vld [tilespmem:s19+$0x19390]  }
0x20c: {  	v7 =	vadd.f32 v7, v12;
	v12 =	vld [tilespmem:s19+$0x191F0]  }
0x20d: {  	v30 =	vld [tilespmem:s19+$0x19340]  }
0x20e: {  	v49 =	vadd.f32 v9, v8;
	v9 =	vld [tilespmem:s19+$0x193D0]  }
0x20f: {  	v8 =	vld [tilespmem:s19+$0x19080]  }
0x210: {  	v2 =	vld.idx.msk [tilespmem:v2+s2+$0x0], $0xffff  }
0x211: {  	[tilespmem:$0x1FE80] =	vst v12;
	v12 =	vld [tilespmem:s19+$0x190B0];
	v1 =	vadd.f32 v6, v1  }
0x212: {  	v22 =	vld.idx.msk [tilespmem:v11+s2+$0x0], $0xffff  }
0x213: {  	v35 =	vld.idx.msk [tilespmem:v24+s2+$0x0], $0xffff;
	v1 =	vadd.f32 v4, v1  }
0x214: {  	v24 =	vld.idx.msk [tilespmem:v57+s2+$0x0], $0xffff  }
0x215: {  	v1 =	vadd.f32 v2, v1;
	v2 =	vld [tilespmem:$0x1FE90]  }
0x216: {  	v57 =	vld.idx.msk [tilespmem:v59+s2+$0x0], $0xffff  }
0x217: {  	v9 =	vld.idx.msk [tilespmem:v9+s2+$0x0], $0xffff  }
0x218: {  	v6 =	vld.idx.msk [tilespmem:v48+s2+$0x0], $0xffff  }
0x219: {  	v23 =	vld.idx.msk [tilespmem:v12+s2+$0x0], $0xffff  }
0x21a: {  	v20 =	vadd.f32 v2, v0;
	v0 =	vld [tilespmem:$0x1FEA0]  }
0x21b: {  	v2 =	vld [tilespmem:s19+$0x19360]  }
0x21c: {  	v5 =	vadd.f32 v5, v7;
	v7 =	vld [tilespmem:s19+$0x19130]  }
0x21d: {  	v4 =	vld [tilespmem:s19+$0x19100]  }
0x21e: {  	v3 =	vadd.f32 v3, v5;
	v5 =	vld [tilespmem:s19+$0x19110]  }
0x21f: {  	[tilespmem:$0x1FEA0] =	vst v9;
	v9 =	vld.idx.msk [tilespmem:v32+s2+$0x0], $0xffff  }
0x220: {  	v0 =	vadd.f32 v0, v49;
	[tilespmem:$0x1FE10] =	vst v2;
	v2 =	vld [tilespmem:s19+$0x19370]  }
0x221: {  	v49 =	vld [tilespmem:s19+$0x19290]  }
0x222: {  	v32 =	vld.idx.msk [tilespmem:v62+s2+$0x0], $0xffff;
	[tilespmem:$0x1FEB0] =	vst v0;
	v0 =	vadd.f32 v47, v3  }
0x223: {  	v47 =	vld [tilespmem:s19+$0x19280]  }
0x224: {  	v3 =	vld [tilespmem:s19+$0x19190];
	[tilespmem:$0x1FEC0] =	vst v0;
	v0 =	vadd.f32 v6, v1  }
0x225: {  	[tilespmem:$0x1FE20] =	vst v2;
	v2 =	vld [tilespmem:s19+$0x192E0]  }
0x226: {  	[tilespmem:$0x1FED0] =	vst v0;
	v0 =	vld [tilespmem:s19+$0x193E0]  }
0x227: {  	v1 =	vld [tilespmem:s19+$0x19310]  }
0x228: {  	v6 =	vld [tilespmem:s19+$0x19120]  }
0x229: {  	[tilespmem:$0x1FE70] =	vst v50;
	v50 =	vld.idx.msk [tilespmem:v49+s2+$0x0], $0xffff  }
0x22a: {  	[tilespmem:$0x1FE30] =	vst v2;
	v2 =	vld [tilespmem:s19+$0x192F0]  }
0x22b: {  	[tilespmem:$0x1FDF0] =	vst v0;
	v0 =	vld [tilespmem:s19+$0x193F0]  }
0x22c: {  	v49 =	vld.idx.msk [tilespmem:v55+s2+$0x0], $0xffff  }
0x22d: {  	v55 =	vld.idx.msk [tilespmem:v58+s2+$0x0], $0xffff  }
0x22e: {  	v48 =	vld.idx.msk [tilespmem:v47+s2+$0x0], $0xffff  }
0x22f: {  	[tilespmem:$0x1FE40] =	vst v2;
	v2 =	vld [tilespmem:s19+$0x19260]  }
0x230: {  	[tilespmem:$0x1FE00] =	vst v0;
	v0 =	vld [tilespmem:s19+$0x19300]  }
0x231: {  	v47 =	vld.idx.msk [tilespmem:v54+s2+$0x0], $0xffff  }
0x232: {  	v54 =	vld.idx.msk [tilespmem:v60+s2+$0x0], $0xffff  }
0x233: {  	v59 =	vld.idx.msk [tilespmem:v3+s2+$0x0], $0xffff  }
0x234: {  	v60 =	vld.idx.msk [tilespmem:v4+s2+$0x0], $0xffff  }
0x235: {  	[tilespmem:$0x1FE50] =	vst v2;
	v2 =	vld [tilespmem:s19+$0x19270]  }
0x236: {  	v3 =	vld.idx.msk [tilespmem:v14+s2+$0x0], $0xffff  }
0x237: {  	v14 =	vld [tilespmem:$0x1FDC0]  }
0x238: {  	v43 =	vld.idx.msk [tilespmem:v0+s2+$0x0], $0xffff  }
0x239: {  	v0 =	vld.idx.msk [tilespmem:v13+s2+$0x0], $0xffff  }
0x23a: {  	[tilespmem:$0x1FE60] =	vst v2;
	v2 =	vld [tilespmem:s19+$0x19180]  }
0x23b: {  	v4 =	vld.idx.msk [tilespmem:v15+s2+$0x0], $0xffff  }
0x23c: {  	v45 =	vld.idx.msk [tilespmem:v1+s2+$0x0], $0xffff  }
0x23d: {  	v1 =	vld.idx.msk [tilespmem:v8+s2+$0x0], $0xffff  }
0x23e: {  	v62 =	vld.idx.msk [tilespmem:v6+s2+$0x0], $0xffff  }
0x23f: {  	v6 =	vadd.f32 v0, v14;
	v0 =	vld [tilespmem:$0x1FDD0]  }
0x240: {  	v13 =	vld.idx.msk [tilespmem:v16+s2+$0x0], $0xffff  }
0x241: {  	v16 =	vmov v20;
	v20 =	vld.idx.msk [tilespmem:v53+s2+$0x0], $0xffff  }
0x242: {  	v58 =	vld.idx.msk [tilespmem:v2+s2+$0x0], $0xffff  }
0x243: {  	v2 =	vld.idx.msk [tilespmem:v10+s2+$0x0], $0xffff  }
0x244: {  	p0 =	sne.s32 s18, $0x18000;
	v53 =	vadd.f32 v4, v0;
	v0 =	vld [tilespmem:$0x1FDE0]  }
.Ltmp1:
0x245: {  	[tilespmem:$0x1FE90] =	vst v17;
	v17 =	vld.idx.msk [tilespmem:v30+s2+$0x0], $0xffff;
	(pc) =	sbr.rel @p0 .LBB2_4-.Ltmp1, $4  }
0x246: {  	v30 =	vld.idx.msk [tilespmem:v63+s2+$0x0], $0xffff  }
0x247: {  	v61 =	vld.idx.msk [tilespmem:v5+s2+$0x0], $0xffff;
	v3 =	vadd.f32 v3, v21  }
0x248: {  	v21 =	vld.idx.msk [tilespmem:v52+s2+$0x0], $0xffff;
	v52 =	vadd.f32 v1, v6  }
0x249: {  	s18 =	sadd.s32 $0x1000, s18;
	v63 =	vld.idx.msk [tilespmem:v7+s2+$0x0], $0xffff;
	v1 =	vadd.f32 v2, v3;
	v0 =	vadd.f32 v13, v0  }
0x24a: {  	_ =	sdelay $0x3  }
0x24b: {  	v4 =	vld.idx.msk [tilespmem:v28+s2+$0x0], $0xffff  }
0x24c: {  	v5 =	vld.idx.msk [tilespmem:v36+s2+$0x0], $0xffff  }
0x24d: {  	v6 =	vld.idx.msk [tilespmem:v34+s2+$0x0], $0xffff  }
0x24e: {  	v7 =	vld.idx.msk [tilespmem:v38+s2+$0x0], $0xffff  }
0x24f: {  	v8 =	vld.idx.msk [tilespmem:v37+s2+$0x0], $0xffff  }
0x250: {  	v10 =	vld.idx.msk [tilespmem:v41+s2+$0x0], $0xffff  }
0x251: {  	v11 =	vld.idx.msk [tilespmem:v40+s2+$0x0], $0xffff  }
0x252: {  	v12 =	vld.idx.msk [tilespmem:v39+s2+$0x0], $0xffff  }
0x253: {  	v13 =	vld.idx.msk [tilespmem:v46+s2+$0x0], $0xffff  }
0x254: {  	v2 =	vadd.f32 v22, v53;
	v14 =	vld.idx.msk [tilespmem:v27+s2+$0x0], $0xffff  }
0x255: {  	v3 =	vadd.f32 v60, v52;
	v15 =	vld.idx.msk [tilespmem:v26+s2+$0x0], $0xffff;
	v0 =	vadd.f32 v23, v0  }
0x256: {  	v18 =	vld.idx.msk [tilespmem:v18+s2+$0x0], $0xffff;
	v1 =	vadd.f32 v61, v1;
	v2 =	vadd.f32 v62, v2  }
0x257: {  	v46 =	vld [tilespmem:$0x1FE70];
	v3 =	vadd.f32 v58, v3;
	v0 =	vadd.f32 v63, v0  }
0x258: {  	v52 =	vld [tilespmem:$0x1FE40];
	v1 =	vadd.f32 v59, v1;
	v2 =	vadd.f32 v20, v2  }
0x259: {  	v53 =	vld [tilespmem:$0x1FE10];
	v3 =	vadd.f32 v55, v3;
	v10 =	vadd.f32 v10, v16  }
0x25a: {  	v55 =	vld [tilespmem:$0x1FDF0];
	v0 =	vadd.f32 v21, v0;
	v1 =	vadd.f32 v57, v1  }
0x25b: {  	v59 =	vld [tilespmem:$0x1FE90];
	v2 =	vadd.f32 v54, v2;
	v3 =	vadd.f32 v48, v3  }
0x25c: {  	v48 =	vld [tilespmem:$0x1FE80];
	v7 =	vadd.f32 v7, v10;
	v1 =	vadd.f32 v50, v1  }
0x25d: {  	v0 =	vadd.f32 v56, v0;
	v2 =	vadd.f32 v47, v2;
	v47 =	vld [tilespmem:$0x1FED0]  }
0x25e: {  	v5 =	vadd.f32 v5, v7;
	v1 =	vadd.f32 v45, v1;
	v45 =	vld [tilespmem:$0x1FEC0]  }
0x25f: {  	v0 =	vadd.f32 v49, v0;
	v49 =	vld [tilespmem:$0x1FE50]  }
0x260: {  	v5 =	vadd.f32 v51, v5;
	v51 =	vld [tilespmem:$0x1FE30]  }
0x261: {  	v0 =	vadd.f32 v44, v0;
	v44 =	vld [tilespmem:$0x1FEB0]  }
0x262: {  	v50 =	vld [tilespmem:$0x1FE60]  }
0x263: {  	v54 =	vld [tilespmem:$0x1FE20];
	v3 =	vadd.f32 v43, v3  }
0x264: {  	v43 =	vld.idx.msk [tilespmem:v19+s2+$0x0], $0xffff;
	v2 =	vadd.f32 v42, v2  }
0x265: {  	v10 =	vld.idx.msk [tilespmem:v46+s2+$0x0], $0xffff;
	v3 =	vadd.f32 v33, v3;
	v12 =	vadd.f32 v12, v45  }
0x266: {  	v56 =	vld [tilespmem:$0x1FE00];
	v1 =	vadd.f32 v35, v1;
	v11 =	vadd.f32 v11, v44  }
0x267: {  	v13 =	vadd.f32 v13, v47;
	v12 =	vadd.f32 v14, v12;
	v7 =	vld.idx.msk [tilespmem:v49+s2+$0x0], $0xffff  }
0x268: {  	v2 =	vadd.f32 v31, v2;
	v8 =	vadd.f32 v8, v11;
	v11 =	vld.idx.msk [tilespmem:v48+s2+$0x0], $0xffff  }
0x269: {  	v13 =	vadd.f32 v15, v13;
	v12 =	vadd.f32 v43, v12;
	v14 =	vld.idx.msk [tilespmem:v51+s2+$0x0], $0xffff  }
0x26a: {  	v5 =	vadd.f32 v32, v5;
	v6 =	vadd.f32 v6, v8;
	v8 =	vld.idx.msk [tilespmem:v50+s2+$0x0], $0xffff  }
0x26b: {  	v13 =	vadd.f32 v18, v13;
	v10 =	vadd.f32 v10, v12;
	v12 =	vld.idx.msk [tilespmem:v53+s2+$0x0], $0xffff  }
0x26c: {  	v0 =	vadd.f32 v29, v0;
	v4 =	vadd.f32 v4, v6;
	v6 =	vld.idx.msk [tilespmem:v52+s2+$0x0], $0xffff  }
0x26d: {  	v7 =	vadd.f32 v7, v10;
	v10 =	vld.idx.msk [tilespmem:v55+s2+$0x0], $0xffff;
	v11 =	vadd.f32 v11, v13  }
0x26e: {  	v5 =	vadd.f32 v25, v5;
	v13 =	vld.idx.msk [tilespmem:v54+s2+$0x0], $0xffff;
	v4 =	vadd.f32 v30, v4  }
0x26f: {  	v61 =	vld [tilespmem:$0x1FEA0];
	v7 =	vadd.f32 v14, v7;
	v8 =	vadd.f32 v8, v11  }
0x270: {  	v5 =	vadd.f32 v17, v5;
	v11 =	vld.idx.msk [tilespmem:v56+s2+$0x0], $0xffff;
	[tilespmem:$0x1F480] =	vst v3;
	v4 =	vadd.f32 v24, v4  }
0x271: {  	[tilespmem:$0x1F490] =	vst v1;
	v58 =	vadd.f32 v12, v7;
	v57 =	vadd.f32 v6, v8  }
0x272: {  	v5 =	vadd.f32 v59, v5;
	[tilespmem:$0x1F4A0] =	vst v2;
	v4 =	vadd.f32 v9, v4  }
0x273: {  	[tilespmem:$0x1F4B0] =	vst v0;
	v62 =	vadd.f32 v10, v58;
	v60 =	vadd.f32 v13, v57  }
0x274: {  	[tilespmem:$0x1F4C0] =	vst v5;
	v3 =	vadd.f32 v61, v4  }
0x275: {  	s17 =	sadd.s32 $0x1, s17;
	[tilespmem:$0x1F4E0] =	vst v62;
	v63 =	vadd.f32 v11, v60  }
0x276: {  	p0 =	sne.s32 s17, s6;
	[tilespmem:$0x1F4D0] =	vst v3  }
.Ltmp2:
0x277: {  	[tilespmem:$0x1F4F0] =	vst v63;
	(pc) =	sbr.rel @p0 .LBB2_1-.Ltmp2, $4  }
0x278: {  	[hbm4b:s5+s14] =	stream.strided.scatter [tilespmem:s16], [sflag:$0x3], $0x100, s15, s14, $0x38;
	[tilespmem:$0x1F500] =	vst v63  }
0x279: {  	_ =	swait.ge [sflag:s13], $0x100  }
0x27a: {  	[sflag:s13] =	ssyncset.done $0x0  }
0x27b: {  	[sflag:s13] =	ssyncadd.s32 $0xFFFFFF00  }
0x27c: {  	_ =	sfence.sel $0x180000  }
0x27d: {  	[bflag:$0x0] =	sbarrier.arrive $0xFFFF  }
0x27e: {  	p0 =	sne.s32 s1, $0x0;
	_ =	strace $0x90000047  }
0x27f: {  	s0 =	sadd.s32 @!p0 $0x100000, s0;
	[bflag:$0x2] =	sbarrier.arrive $0xFFFF  }
0x280: {  	[sflag:s0] =	ssyncadd.tile.s32 @!p0 $0x1;
	_ =	shalt  }
.Lfunc_end2:
_tile_overlayer_lowered:
.L_overlay_start_2:
0x281: {  	(tag) =	ssettag $0x2  }
0x282: {  	s0 =	rddreg [dreg:$0x0];
	s2 =	stileid.u32  }
0x283: {  	s1 =	rddreg [dreg:$0x1];
	p0 =	sne.s32 s2, $0x0  }
0x284: {  	s3 =	rddreg [dreg:$0x2];
	[bflag:$0x3] =	sbarrier.arrive $0xFFFF;
	s2 =	simm.s32 @!p0 $0x1C03  }
0x285: {  	[timem:s3], [sflag:s2] =	dma.local @!p0 [hbm:s0], s1  }
0x286: {  	s0 =	simm.s32 @!p0 $0x3  }
0x287: {  	_ =	swait.ge @!p0 [sflag:s0], s1  }
0x288: {  	s1 =	ssub.s32 @!p0 $0x0, s1;
	[sflag:s0] =	ssyncset.done @!p0 $0x0  }
0x289: {  	[sflag:s0] =	ssyncadd.s32 @!p0 s1  }
0x28a: {  	[bflag:$0x3] =	sbarrier.arrive $0xFFFF  }
0x28b: {  	_ =	shalt  }

</sc_bundles>
